<compile_context>
chip_gen: v7x
topology: tpu7x:2x2x1
jax: 0.10.2.dev20260603
libtpu: 0.0.44.dev20260713+nightly
codegen_flags: <defaults>
</compile_context>

<pallas_src>
import functools

import jax
import jax.numpy as jnp
from jax import lax
from jax.experimental import pallas as pl
from jax.experimental.pallas import tpu as pltpu
from jax.experimental.pallas import tpu_sc as plsc

D = 2048
H = 1024
K = 64
TOPK = 8

BM = 1024
NW = 32
LANES = 16


def _mlp_body(x_ref, w1c_ref, b1c_ref, w2_ref, b2_ref, w3_ref, b3_ref, out_ref):
    x = x_ref[...]
    h = jnp.dot(x, w1c_ref[...], preferred_element_type=jnp.float32) + b1c_ref[...]
    h1 = jnp.maximum(h[:, :H], 0.0)
    xs = h[:, H:]
    h2 = jnp.maximum(
        jnp.dot(h1, w2_ref[...], preferred_element_type=jnp.float32)
        + b2_ref[...] + xs, 0.0)
    out_ref[...] = (jnp.dot(h2, w3_ref[...], preferred_element_type=jnp.float32)
                    + b3_ref[...])


def _logits(x, W1, b1, W2, b2, W3, b3, Ws):
    B = x.shape[0]
    w1c = jnp.concatenate([W1, Ws], axis=1)
    b1c = jnp.concatenate([b1, jnp.zeros_like(b1)])[None, :]
    return pl.pallas_call(
        _mlp_body,
        grid=(B // BM,),
        in_specs=[
            pl.BlockSpec((BM, D), lambda i: (i, 0)),
            pl.BlockSpec((D, 2 * H), lambda i: (0, 0)),
            pl.BlockSpec((1, 2 * H), lambda i: (0, 0)),
            pl.BlockSpec((H, H), lambda i: (0, 0)),
            pl.BlockSpec((1, H), lambda i: (0, 0)),
            pl.BlockSpec((H, K), lambda i: (0, 0)),
            pl.BlockSpec((1, K), lambda i: (0, 0)),
        ],
        out_specs=pl.BlockSpec((BM, K), lambda i: (i, 0)),
        out_shape=jax.ShapeDtypeStruct((B, K), jnp.float32),
        compiler_params=pltpu.CompilerParams(vmem_limit_bytes=128 * 1024 * 1024),
    )(x, w1c, b1c, W2, b2[None, :], W3, b3[None, :])


def _route_body(ch, log_hbm, zero_hbm, out_hbm, log_v, out_v, sem0, sem1):
    wid = lax.axis_index("s") * 2 + lax.axis_index("c")
    base = wid * ch * K
    n = ch * K
    cp = pltpu.async_copy(log_hbm.at[pl.ds(base, n)], log_v, sem0)
    zp = pltpu.async_copy(zero_hbm, out_v, sem1)
    cp.wait()
    zp.wait()

    lanes = lax.iota(jnp.int32, LANES)
    cols = [lanes + c * LANES for c in range(K // LANES)]
    sel = lanes < TOPK

    def merge(ak, av, bk, bv):
        rk = lax.rev(bk, (0,))
        rv = lax.rev(bv, (0,))
        c = ak > rk
        return jnp.where(c, ak, rk), jnp.where(c, av, rv)

    @plsc.parallel_loop(0, ch, unroll=4)
    def row_loop(r):
        off = r * K
        srt = [plsc.sort_key_val(log_v[pl.ds(off + c * LANES, LANES)],
                                 cols[c], descending=True)
               for c in range(K // LANES)]
        uk, uv = merge(*srt[0], *srt[1])
        vk, vv = merge(*srt[2], *srt[3])
        uk, uv = plsc.sort_key_val(uk, uv, descending=True)
        vk, vv = plsc.sort_key_val(vk, vv, descending=True)
        wk, wv = merge(uk, uv, vk, vv)
        wk, wv = plsc.sort_key_val(wk, wv, descending=True)
        m = jnp.max(wk)
        e = jnp.where(sel, jnp.exp(wk - m), 0.0)
        s = lax.broadcast(jnp.sum(e), (LANES,))
        plsc.store_scatter(out_v, [off + wv], e / s, mask=sel)

    pltpu.sync_copy(out_v, out_hbm.at[pl.ds(base, n)])


def _route(logits):
    B = logits.shape[0]
    ch = B // NW
    mesh = plsc.VectorSubcoreMesh(core_axis_name="c", subcore_axis_name="s",
                                  num_cores=2, num_subcores=16)
    zeros = jnp.zeros((ch * K,), jnp.float32)
    run = pl.kernel(
        functools.partial(_route_body, ch),
        out_type=jax.ShapeDtypeStruct((B * K,), jnp.float32),
        mesh=mesh,
        compiler_params=pltpu.CompilerParams(needs_layout_passes=False),
        scratch_types=[
            pltpu.VMEM((ch * K,), jnp.float32),
            pltpu.VMEM((ch * K,), jnp.float32),
            pltpu.SemaphoreType.DMA,
            pltpu.SemaphoreType.DMA,
        ],
    )
    return run(logits.reshape(B * K), zeros).reshape(B, K)


def kernel(x, W1, b1, W2, b2, W3, b3, Ws):
    return _route(_logits(x, W1, b1, W2, b2, W3, b3, Ws))

# --- scband reference (transcript-rebuilt; emitter-appended) ---
"""Pipeline reference for scband-mo-svrouter-73332271612414 (READ-ONLY COPY).

The authoritative reference and input builder live on the scoring server;
editing this copy changes nothing except your own understanding.
"""

import jax, jax.numpy as jnp
import numpy as np

D = 2048
H = 1024
K = 64
TOPK = 8
B = 16384

def _xavier(key, shape):
    fan_in, fan_out = shape
    lim = (6.0 / (fan_in + fan_out)) ** 0.5
    return jax.random.uniform(key, shape, jnp.float32, -lim, lim)

def setup_inputs(seed: int = 0) -> dict:
    key = jax.random.key(seed)
    ks = jax.random.split(key, 6)
    x = jax.random.normal(ks[0], (B, D), dtype=jnp.float32)
    W1 = _xavier(ks[1], (D, H)); b1 = jnp.zeros((H,), jnp.float32)
    W2 = _xavier(ks[2], (H, H)); b2 = jnp.zeros((H,), jnp.float32)
    W3 = _xavier(ks[3], (H, K)); b3 = jnp.zeros((K,), jnp.float32)
    Ws = _xavier(ks[4], (D, H))
    return {"x": x, "W1": W1, "b1": b1, "W2": W2, "b2": b2, "W3": W3, "b3": b3, "Ws": Ws}

def reference(x, W1, b1, W2, b2, W3, b3, Ws):
    # dropout p=0.0 (eval / identity)
    h1 = jax.nn.relu(x @ W1 + b1)
    h2 = jax.nn.relu(h1 @ W2 + b2 + x @ Ws)
    logits = h2 @ W3 + b3
    top_k = min(TOPK, K)
    top_vals, top_idx = jax.lax.top_k(logits, top_k)
    sm = jax.nn.softmax(top_vals, axis=-1)
    rows = jnp.arange(logits.shape[0])[:, None]
    sparse = jnp.zeros_like(logits).at[rows, top_idx].set(sm)
    return sparse

if __name__ == "__main__":
    import jax
    _d = setup_inputs()
    print(jax.jit(kernel)(*tuple(_d.values())))

</pallas_src>

<mosaic_0001>
#map = affine_map<(d0, d1) -> (0)>
module attributes {stable_mosaic.version = 14 : i64} {
  func.func @_route_body(%arg0: i32, %arg1: i32, %arg2: memref<1048576xf32, #tpu.memory_space<hbm>>, %arg3: memref<32768xf32, #tpu.memory_space<hbm>>, %arg4: memref<1048576xf32, #tpu.memory_space<hbm>>, %arg5: memref<32768xf32, #tpu.memory_space<vmem>>, %arg6: memref<32768xf32, #tpu.memory_space<vmem>>, %arg7: memref<!tpu.dma_semaphore, #tpu.memory_space<semaphore_mem>>, %arg8: memref<!tpu.dma_semaphore, #tpu.memory_space<semaphore_mem>>) attributes {dimension_semantics = [#tpu.dimension_semantics<core_parallel>, #tpu.dimension_semantics<subcore_parallel>], iteration_bounds = array<i64: 2, 16>, scalar_prefetch = 0 : i64, scratch_operands = 4 : i64, tpu.core_type = #tpu.core_type<sc_vector_subcore>, window_params = [{transform_indices = #map}, {transform_indices = #map}, {transform_indices = #map}]} {
    %mul3A = arith.constant 2 : i32
    %mul3A_0 = arith.muli %arg1, %mul3A : i32
    %add3A = arith.addi %mul3A_0, %arg0 : i32
    %mul3A_1 = arith.constant 512 : i32
    %mul3A_2 = arith.muli %add3A, %mul3A_1 : i32
    %mul3A_3 = arith.constant 64 : i32
    %mul3A_4 = arith.muli %mul3A_2, %mul3A_3 : i32
    %dma_start3A = tpu.memref_slice %arg2[%mul3A_4] : memref<1048576xf32, #tpu.memory_space<hbm>> -> memref<32768xf32, #tpu.memory_space<hbm>>
    %dma_start3A_5 = tpu.memref_slice %arg2[%mul3A_4] : memref<1048576xf32, #tpu.memory_space<hbm>> -> memref<32768xf32, #tpu.memory_space<hbm>>
    tpu.enqueue_dma source(%dma_start3A_5 : memref<32768xf32, #tpu.memory_space<hbm>>) target(%arg5 : memref<32768xf32, #tpu.memory_space<vmem>>) target_semaphore(%arg7 : memref<!tpu.dma_semaphore, #tpu.memory_space<semaphore_mem>>)
    tpu.enqueue_dma source(%arg3 : memref<32768xf32, #tpu.memory_space<hbm>>) target(%arg6 : memref<32768xf32, #tpu.memory_space<vmem>>) target_semaphore(%arg8 : memref<!tpu.dma_semaphore, #tpu.memory_space<semaphore_mem>>)
    %dma_wait3A = tpu.memref_slice %arg2[%mul3A_4] : memref<1048576xf32, #tpu.memory_space<hbm>> -> memref<32768xf32, #tpu.memory_space<hbm>>
    %dma_wait3A_6 = tpu.memref_slice %arg2[%mul3A_4] : memref<1048576xf32, #tpu.memory_space<hbm>> -> memref<32768xf32, #tpu.memory_space<hbm>>
    tpu.wait_dma2 semaphore(%arg7 : memref<!tpu.dma_semaphore, #tpu.memory_space<semaphore_mem>>) src(%dma_wait3A_6 : memref<32768xf32, #tpu.memory_space<hbm>>) dst(%arg5 : memref<32768xf32, #tpu.memory_space<vmem>>)
    tpu.wait_dma2 semaphore(%arg8 : memref<!tpu.dma_semaphore, #tpu.memory_space<semaphore_mem>>) src(%arg3 : memref<32768xf32, #tpu.memory_space<hbm>>) dst(%arg6 : memref<32768xf32, #tpu.memory_space<vmem>>)
    %iota3A = tpu.iota {dimensions = array<i32: 0>} : vector<16xi32>
    %add3A_7 = arith.constant 0 : i32
    %add3A_8 = vector.broadcast %add3A_7 : i32 to vector<16xi32>
    %add3A_9 = arith.addi %iota3A, %add3A_8 : vector<16xi32>
    %add3A_10 = arith.constant 16 : i32
    %add3A_11 = vector.broadcast %add3A_10 : i32 to vector<16xi32>
    %add3A_12 = arith.addi %iota3A, %add3A_11 : vector<16xi32>
    %add3A_13 = arith.constant 32 : i32
    %add3A_14 = vector.broadcast %add3A_13 : i32 to vector<16xi32>
    %add3A_15 = arith.addi %iota3A, %add3A_14 : vector<16xi32>
    %add3A_16 = arith.constant 48 : i32
    %add3A_17 = vector.broadcast %add3A_16 : i32 to vector<16xi32>
    %add3A_18 = arith.addi %iota3A, %add3A_17 : vector<16xi32>
    %lt3A = arith.constant 8 : i32
    %lt3A_19 = vector.broadcast %lt3A : i32 to vector<16xi32>
    %lt3A_20 = arith.cmpi slt, %iota3A, %lt3A_19 : vector<16xi32>
    %parallel_loop3A = arith.constant 0 : i32
    %parallel_loop3A_21 = arith.constant 512 : i32
    %parallel_loop3A_22 = arith.constant 1 : i32
    scf.for %parallel_loop3A_23 = %parallel_loop3A to %parallel_loop3A_21 step %parallel_loop3A_22  : i32 {
      %parallel_loop3A_24 = arith.constant 64 : i32
      %parallel_loop3A_25 = arith.muli %parallel_loop3A_23, %parallel_loop3A_24 : i32
      %parallel_loop3A_26 = arith.constant 0 : i32
      %parallel_loop3A_27 = arith.addi %parallel_loop3A_25, %parallel_loop3A_26 : i32
      %parallel_loop3A_28 = arith.index_cast %parallel_loop3A_27 : i32 to index
      %parallel_loop3A_29 = tpu.vector_load %arg5[%parallel_loop3A_28] {strides = array<i32>} : memref<32768xf32, #tpu.memory_space<vmem>>, vector<16xf32>,
      %parallel_loop3A_30 = arith.constant dense<true> : vector<16xi1>
      %parallel_loop3A_31, %parallel_loop3A_32, %parallel_loop3A_33 = tpu.sort %parallel_loop3A_29, %add3A_9 masked %parallel_loop3A_30 {descending = true} : (vector<16xf32>, vector<16xi32>, vector<16xi1>) -> (vector<16xi1>, vector<16xf32>, vector<16xi32>)
      %parallel_loop3A_34 = arith.constant 16 : i32
      %parallel_loop3A_35 = arith.addi %parallel_loop3A_25, %parallel_loop3A_34 : i32
      %parallel_loop3A_36 = arith.index_cast %parallel_loop3A_35 : i32 to index
      %parallel_loop3A_37 = tpu.vector_load %arg5[%parallel_loop3A_36] {strides = array<i32>} : memref<32768xf32, #tpu.memory_space<vmem>>, vector<16xf32>,
      %parallel_loop3A_38 = arith.constant dense<true> : vector<16xi1>
      %parallel_loop3A_39, %parallel_loop3A_40, %parallel_loop3A_41 = tpu.sort %parallel_loop3A_37, %add3A_12 masked %parallel_loop3A_38 {descending = true} : (vector<16xf32>, vector<16xi32>, vector<16xi1>) -> (vector<16xi1>, vector<16xf32>, vector<16xi32>)
      %parallel_loop3A_42 = arith.constant 32 : i32
      %parallel_loop3A_43 = arith.addi %parallel_loop3A_25, %parallel_loop3A_42 : i32
      %parallel_loop3A_44 = arith.index_cast %parallel_loop3A_43 : i32 to index
      %parallel_loop3A_45 = tpu.vector_load %arg5[%parallel_loop3A_44] {strides = array<i32>} : memref<32768xf32, #tpu.memory_space<vmem>>, vector<16xf32>,
      %parallel_loop3A_46 = arith.constant dense<true> : vector<16xi1>
      %parallel_loop3A_47, %parallel_loop3A_48, %parallel_loop3A_49 = tpu.sort %parallel_loop3A_45, %add3A_15 masked %parallel_loop3A_46 {descending = true} : (vector<16xf32>, vector<16xi32>, vector<16xi1>) -> (vector<16xi1>, vector<16xf32>, vector<16xi32>)
      %parallel_loop3A_50 = arith.constant 48 : i32
      %parallel_loop3A_51 = arith.addi %parallel_loop3A_25, %parallel_loop3A_50 : i32
      %parallel_loop3A_52 = arith.index_cast %parallel_loop3A_51 : i32 to index
      %parallel_loop3A_53 = tpu.vector_load %arg5[%parallel_loop3A_52] {strides = array<i32>} : memref<32768xf32, #tpu.memory_space<vmem>>, vector<16xf32>,
      %parallel_loop3A_54 = arith.constant dense<true> : vector<16xi1>
      %parallel_loop3A_55, %parallel_loop3A_56, %parallel_loop3A_57 = tpu.sort %parallel_loop3A_53, %add3A_18 masked %parallel_loop3A_54 {descending = true} : (vector<16xf32>, vector<16xi32>, vector<16xi1>) -> (vector<16xi1>, vector<16xf32>, vector<16xi32>)
      %parallel_loop3A_58 = arith.constant 15 : i32
      %parallel_loop3A_59 = vector.broadcast %parallel_loop3A_58 : i32 to vector<16xi32>
      %parallel_loop3A_60 = tpu.iota {dimensions = array<i32: 0>} : vector<16xi32>
      %parallel_loop3A_61 = arith.subi %parallel_loop3A_59, %parallel_loop3A_60 : vector<16xi32>
      %parallel_loop3A_62 = tpu.dynamic_gather %parallel_loop3A_40[%parallel_loop3A_61] in [0] : vector<16xf32>, vector<16xi32> -> vector<16xf32>
      %parallel_loop3A_63 = arith.constant 15 : i32
      %parallel_loop3A_64 = vector.broadcast %parallel_loop3A_63 : i32 to vector<16xi32>
      %parallel_loop3A_65 = tpu.iota {dimensions = array<i32: 0>} : vector<16xi32>
      %parallel_loop3A_66 = arith.subi %parallel_loop3A_64, %parallel_loop3A_65 : vector<16xi32>
      %parallel_loop3A_67 = tpu.dynamic_gather %parallel_loop3A_41[%parallel_loop3A_66] in [0] : vector<16xi32>, vector<16xi32> -> vector<16xi32>
      %parallel_loop3A_68 = arith.cmpf ogt, %parallel_loop3A_32, %parallel_loop3A_62 : vector<16xf32>
      %parallel_loop3A_69 = arith.select %parallel_loop3A_68, %parallel_loop3A_32, %parallel_loop3A_62 : vector<16xi1>, vector<16xf32>
      %parallel_loop3A_70 = arith.select %parallel_loop3A_68, %parallel_loop3A_33, %parallel_loop3A_67 : vector<16xi1>, vector<16xi32>
      %parallel_loop3A_71 = arith.constant 15 : i32
      %parallel_loop3A_72 = vector.broadcast %parallel_loop3A_71 : i32 to vector<16xi32>
      %parallel_loop3A_73 = tpu.iota {dimensions = array<i32: 0>} : vector<16xi32>
      %parallel_loop3A_74 = arith.subi %parallel_loop3A_72, %parallel_loop3A_73 : vector<16xi32>
      %parallel_loop3A_75 = tpu.dynamic_gather %parallel_loop3A_56[%parallel_loop3A_74] in [0] : vector<16xf32>, vector<16xi32> -> vector<16xf32>
      %parallel_loop3A_76 = arith.constant 15 : i32
      %parallel_loop3A_77 = vector.broadcast %parallel_loop3A_76 : i32 to vector<16xi32>
      %parallel_loop3A_78 = tpu.iota {dimensions = array<i32: 0>} : vector<16xi32>
      %parallel_loop3A_79 = arith.subi %parallel_loop3A_77, %parallel_loop3A_78 : vector<16xi32>
      %parallel_loop3A_80 = tpu.dynamic_gather %parallel_loop3A_57[%parallel_loop3A_79] in [0] : vector<16xi32>, vector<16xi32> -> vector<16xi32>
      %parallel_loop3A_81 = arith.cmpf ogt, %parallel_loop3A_48, %parallel_loop3A_75 : vector<16xf32>
      %parallel_loop3A_82 = arith.select %parallel_loop3A_81, %parallel_loop3A_48, %parallel_loop3A_75 : vector<16xi1>, vector<16xf32>
      %parallel_loop3A_83 = arith.select %parallel_loop3A_81, %parallel_loop3A_49, %parallel_loop3A_80 : vector<16xi1>, vector<16xi32>
      %parallel_loop3A_84 = arith.constant dense<true> : vector<16xi1>
      %parallel_loop3A_85, %parallel_loop3A_86, %parallel_loop3A_87 = tpu.sort %parallel_loop3A_69, %parallel_loop3A_70 masked %parallel_loop3A_84 {descending = true} : (vector<16xf32>, vector<16xi32>, vector<16xi1>) -> (vector<16xi1>, vector<16xf32>, vector<16xi32>)
      %parallel_loop3A_88 = arith.constant dense<true> : vector<16xi1>
      %parallel_loop3A_89, %parallel_loop3A_90, %parallel_loop3A_91 = tpu.sort %parallel_loop3A_82, %parallel_loop3A_83 masked %parallel_loop3A_88 {descending = true} : (vector<16xf32>, vector<16xi32>, vector<16xi1>) -> (vector<16xi1>, vector<16xf32>, vector<16xi32>)
      %parallel_loop3A_92 = arith.constant 15 : i32
      %parallel_loop3A_93 = vector.broadcast %parallel_loop3A_92 : i32 to vector<16xi32>
      %parallel_loop3A_94 = tpu.iota {dimensions = array<i32: 0>} : vector<16xi32>
      %parallel_loop3A_95 = arith.subi %parallel_loop3A_93, %parallel_loop3A_94 : vector<16xi32>
      %parallel_loop3A_96 = tpu.dynamic_gather %parallel_loop3A_90[%parallel_loop3A_95] in [0] : vector<16xf32>, vector<16xi32> -> vector<16xf32>
      %parallel_loop3A_97 = arith.constant 15 : i32
      %parallel_loop3A_98 = vector.broadcast %parallel_loop3A_97 : i32 to vector<16xi32>
      %parallel_loop3A_99 = tpu.iota {dimensions = array<i32: 0>} : vector<16xi32>
      %parallel_loop3A_100 = arith.subi %parallel_loop3A_98, %parallel_loop3A_99 : vector<16xi32>
      %parallel_loop3A_101 = tpu.dynamic_gather %parallel_loop3A_91[%parallel_loop3A_100] in [0] : vector<16xi32>, vector<16xi32> -> vector<16xi32>
      %parallel_loop3A_102 = arith.cmpf ogt, %parallel_loop3A_86, %parallel_loop3A_96 : vector<16xf32>
      %parallel_loop3A_103 = arith.select %parallel_loop3A_102, %parallel_loop3A_86, %parallel_loop3A_96 : vector<16xi1>, vector<16xf32>
      %parallel_loop3A_104 = arith.select %parallel_loop3A_102, %parallel_loop3A_87, %parallel_loop3A_101 : vector<16xi1>, vector<16xi32>
      %parallel_loop3A_105 = arith.constant dense<true> : vector<16xi1>
      %parallel_loop3A_106, %parallel_loop3A_107, %parallel_loop3A_108 = tpu.sort %parallel_loop3A_103, %parallel_loop3A_104 masked %parallel_loop3A_105 {descending = true} : (vector<16xf32>, vector<16xi32>, vector<16xi1>) -> (vector<16xi1>, vector<16xf32>, vector<16xi32>)
      %parallel_loop3A_109 = arith.constant true
      %parallel_loop3A_110 = vector.broadcast %parallel_loop3A_109 : i1 to vector<16xi1>
      %parallel_loop3A_111 = tpu.scan <max>, %parallel_loop3A_107 masked %parallel_loop3A_110 : vector<16xf32>, vector<16xi1> -> vector<16xf32>
      %parallel_loop3A_112 = vector.extract %parallel_loop3A_111[15] : f32 from vector<16xf32>
      %parallel_loop3A_113 = vector.broadcast %parallel_loop3A_112 : f32 to vector<16xf32>
      %parallel_loop3A_114 = arith.subf %parallel_loop3A_107, %parallel_loop3A_113 : vector<16xf32>
      %parallel_loop3A_115 = math.exp %parallel_loop3A_114 : vector<16xf32>
      %parallel_loop3A_116 = arith.constant 0.000000e+00 : f32
      %parallel_loop3A_117 = vector.broadcast %parallel_loop3A_116 : f32 to vector<16xf32>
      %parallel_loop3A_118 = arith.select %lt3A_20, %parallel_loop3A_115, %parallel_loop3A_117 : vector<16xi1>, vector<16xf32>
      %parallel_loop3A_119 = arith.constant true
      %parallel_loop3A_120 = vector.broadcast %parallel_loop3A_119 : i1 to vector<16xi1>
      %parallel_loop3A_121 = tpu.scan <sum>, %parallel_loop3A_118 masked %parallel_loop3A_120 : vector<16xf32>, vector<16xi1> -> vector<16xf32>
      %parallel_loop3A_122 = vector.extract %parallel_loop3A_121[15] : f32 from vector<16xf32>
      %parallel_loop3A_123 = vector.broadcast %parallel_loop3A_122 : f32 to vector<16xf32>
      %parallel_loop3A_124 = vector.broadcast %parallel_loop3A_25 : i32 to vector<16xi32>
      %parallel_loop3A_125 = arith.addi %parallel_loop3A_124, %parallel_loop3A_108 : vector<16xi32>
      %parallel_loop3A_126 = arith.divf %parallel_loop3A_118, %parallel_loop3A_123 : vector<16xf32>
      tpu.vector_store_idx %arg6[%parallel_loop3A_125], %parallel_loop3A_126 masked %lt3A_20 : memref<32768xf32, #tpu.memory_space<vmem>>[vector<16xi32>], vector<16xf32>, vector<16xi1>
    } {sc.loop_unroll_factor = 4 : i64, sc.parallel_access}
    "tpu.region"() ({
      %run_scoped3A = tpu.sem_alloc : memref<!tpu.dma_semaphore, #tpu.memory_space<semaphore_mem>>
      %dma_start3A_23 = tpu.memref_slice %arg4[%mul3A_4] : memref<1048576xf32, #tpu.memory_space<hbm>> -> memref<32768xf32, #tpu.memory_space<hbm>>
      %dma_start3A_24 = tpu.memref_slice %arg4[%mul3A_4] : memref<1048576xf32, #tpu.memory_space<hbm>> -> memref<32768xf32, #tpu.memory_space<hbm>>
      tpu.enqueue_dma source(%arg6 : memref<32768xf32, #tpu.memory_space<vmem>>) target(%dma_start3A_24 : memref<32768xf32, #tpu.memory_space<hbm>>) target_semaphore(%run_scoped3A : memref<!tpu.dma_semaphore, #tpu.memory_space<semaphore_mem>>)
      %dma_wait3A_25 = tpu.memref_slice %arg4[%mul3A_4] : memref<1048576xf32, #tpu.memory_space<hbm>> -> memref<32768xf32, #tpu.memory_space<hbm>>
      %dma_wait3A_26 = tpu.memref_slice %arg4[%mul3A_4] : memref<1048576xf32, #tpu.memory_space<hbm>> -> memref<32768xf32, #tpu.memory_space<hbm>>
      tpu.wait_dma2 semaphore(%run_scoped3A : memref<!tpu.dma_semaphore, #tpu.memory_space<semaphore_mem>>) src(%arg6 : memref<32768xf32, #tpu.memory_space<vmem>>) dst(%dma_wait3A_26 : memref<32768xf32, #tpu.memory_space<hbm>>)
      tpu.yield
    }) : () -> ()
    return
  }
}

module attributes {stable_mosaic.version = 14 : i64} {
  func.func @_mlp_body(%arg0: i32, %arg1: memref<1024x2048xf32, #tpu.memory_space<vmem>>, %arg2: memref<2048x2048xf32, #tpu.memory_space<vmem>>, %arg3: memref<1x2048xf32, #tpu.memory_space<vmem>>, %arg4: memref<1024x1024xf32, #tpu.memory_space<vmem>>, %arg5: memref<1x1024xf32, #tpu.memory_space<vmem>>, %arg6: memref<1024x64xf32, #tpu.memory_space<vmem>>, %arg7: memref<1x64xf32, #tpu.memory_space<vmem>>, %arg8: memref<1024x64xf32, #tpu.memory_space<vmem>>) attributes {dimension_semantics = [#tpu.dimension_semantics<arbitrary>], iteration_bounds = array<i64: 16>, scalar_prefetch = 0 : i64, scratch_operands = 0 : i64, tpu.core_type = #tpu.core_type<tc>, window_params = [{transform_indices = @transform_0, window_bounds = array<i64: 1024, 2048>}, {pipeline_mode = #tpu.pipeline_mode<synchronous>, transform_indices = @transform_1, window_bounds = array<i64: 2048, 2048>}, {pipeline_mode = #tpu.pipeline_mode<synchronous>, transform_indices = @transform_2, window_bounds = array<i64: 1, 2048>}, {pipeline_mode = #tpu.pipeline_mode<synchronous>, transform_indices = @transform_3, window_bounds = array<i64: 1024, 1024>}, {pipeline_mode = #tpu.pipeline_mode<synchronous>, transform_indices = @transform_4, window_bounds = array<i64: 1, 1024>}, {pipeline_mode = #tpu.pipeline_mode<synchronous>, transform_indices = @transform_5, window_bounds = array<i64: 1024, 64>}, {pipeline_mode = #tpu.pipeline_mode<synchronous>, transform_indices = @transform_6, window_bounds = array<i64: 1, 64>}, {transform_indices = @transform_7, window_bounds = array<i64: 1024, 64>}]} {
    %get3A = arith.constant 0 : index
    %get3A_0 = arith.constant 0 : index
    %get3A_1 = vector.load %arg1[%get3A, %get3A_0] : memref<1024x2048xf32, #tpu.memory_space<vmem>>, vector<1024x2048xf32>
    %get3A_2 = arith.constant 0 : index
    %get3A_3 = arith.constant 0 : index
    %get3A_4 = vector.load %arg2[%get3A_2, %get3A_3] : memref<2048x2048xf32, #tpu.memory_space<vmem>>, vector<2048x2048xf32>
    %dot_general3A = arith.constant dense<0.000000e+00> : vector<1024x2048xf32>
    %dot_general3A_5 = tpu.matmul %get3A_1, %get3A_4, %dot_general3A {dimension_numbers = #tpu.dot_dimension_numbers<[1], [0], [0], [1], [0, 0, 1, 1], [], []>, transpose_lhs_hint = false} : vector<1024x2048xf32>, vector<2048x2048xf32>, vector<1024x2048xf32> -> vector<1024x2048xf32>
    %get3A_6 = arith.constant 0 : index
    %get3A_7 = arith.constant 0 : index
    %get3A_8 = vector.load %arg3[%get3A_6, %get3A_7] : memref<1x2048xf32, #tpu.memory_space<vmem>>, vector<1x2048xf32>
    %add3A = vector.broadcast %get3A_8 : vector<1x2048xf32> to vector<1024x2048xf32>
    %add3A_9 = arith.addf %dot_general3A_5, %add3A : vector<1024x2048xf32>
    %slice3A = vector.extract_strided_slice %add3A_9 {offsets = [0, 0], sizes = [1024, 1024], strides = [1, 1]} : vector<1024x2048xf32> to vector<1024x1024xf32>
    %max3A = arith.constant 0.000000e+00 : f32
    %max3A_10 = vector.broadcast %max3A : f32 to vector<1024x1024xf32>
    %max3A_11 = arith.maximumf %slice3A, %max3A_10 : vector<1024x1024xf32>
    %slice3A_12 = vector.extract_strided_slice %add3A_9 {offsets = [0, 1024], sizes = [1024, 1024], strides = [1, 1]} : vector<1024x2048xf32> to vector<1024x1024xf32>
    %get3A_13 = arith.constant 0 : index
    %get3A_14 = arith.constant 0 : index
    %get3A_15 = vector.load %arg4[%get3A_13, %get3A_14] : memref<1024x1024xf32, #tpu.memory_space<vmem>>, vector<1024x1024xf32>
    %dot_general3A_16 = arith.constant dense<0.000000e+00> : vector<1024x1024xf32>
    %dot_general3A_17 = tpu.matmul %max3A_11, %get3A_15, %dot_general3A_16 {dimension_numbers = #tpu.dot_dimension_numbers<[1], [0], [0], [1], [0, 0, 1, 1], [], []>, transpose_lhs_hint = false} : vector<1024x1024xf32>, vector<1024x1024xf32>, vector<1024x1024xf32> -> vector<1024x1024xf32>
    %get3A_18 = arith.constant 0 : index
    %get3A_19 = arith.constant 0 : index
    %get3A_20 = vector.load %arg5[%get3A_18, %get3A_19] : memref<1x1024xf32, #tpu.memory_space<vmem>>, vector<1x1024xf32>
    %add3A_21 = vector.broadcast %get3A_20 : vector<1x1024xf32> to vector<1024x1024xf32>
    %add3A_22 = arith.addf %dot_general3A_17, %add3A_21 : vector<1024x1024xf32>
    %add3A_23 = arith.addf %add3A_22, %slice3A_12 : vector<1024x1024xf32>
    %max3A_24 = arith.constant 0.000000e+00 : f32
    %max3A_25 = vector.broadcast %max3A_24 : f32 to vector<1024x1024xf32>
    %max3A_26 = arith.maximumf %add3A_23, %max3A_25 : vector<1024x1024xf32>
    %get3A_27 = arith.constant 0 : index
    %get3A_28 = arith.constant 0 : index
    %get3A_29 = vector.load %arg6[%get3A_27, %get3A_28] : memref<1024x64xf32, #tpu.memory_space<vmem>>, vector<1024x64xf32>
    %dot_general3A_30 = arith.constant dense<0.000000e+00> : vector<1024x64xf32>
    %dot_general3A_31 = tpu.matmul %max3A_26, %get3A_29, %dot_general3A_30 {dimension_numbers = #tpu.dot_dimension_numbers<[1], [0], [0], [1], [0, 0, 1, 1], [], []>, transpose_lhs_hint = false} : vector<1024x1024xf32>, vector<1024x64xf32>, vector<1024x64xf32> -> vector<1024x64xf32>
    %get3A_32 = arith.constant 0 : index
    %get3A_33 = arith.constant 0 : index
    %get3A_34 = vector.load %arg7[%get3A_32, %get3A_33] : memref<1x64xf32, #tpu.memory_space<vmem>>, vector<1x64xf32>
    %add3A_35 = vector.broadcast %get3A_34 : vector<1x64xf32> to vector<1024x64xf32>
    %add3A_36 = arith.addf %dot_general3A_31, %add3A_35 : vector<1024x64xf32>
    %swap3A = arith.constant 0 : index
    %swap3A_37 = arith.constant 0 : index
    %swap3A_38 = vector.load %arg8[%swap3A, %swap3A_37] : memref<1024x64xf32, #tpu.memory_space<vmem>>, vector<1024x64xf32>
    tpu.vector_store %arg8[%swap3A, %swap3A_37], %add3A_36 {strides = array<i32>} : memref<1024x64xf32, #tpu.memory_space<vmem>>, vector<1024x64xf32>,
    return
  }
  func.func @transform_0(%arg0: i32) -> (i32, i32) {
    %c0_i32 = arith.constant 0 : i32
    %c0_i32_0 = arith.constant 0 : i32
    return %arg0, %c0_i32 : i32, i32
  }
  func.func @transform_1(%arg0: i32) -> (i32, i32) {
    %c0_i32 = arith.constant 0 : i32
    %c0_i32_0 = arith.constant 0 : i32
    %c0_i32_1 = arith.constant 0 : i32
    return %c0_i32, %c0_i32_0 : i32, i32
  }
  func.func @transform_2(%arg0: i32) -> (i32, i32) {
    %c0_i32 = arith.constant 0 : i32
    %c0_i32_0 = arith.constant 0 : i32
    %c0_i32_1 = arith.constant 0 : i32
    return %c0_i32, %c0_i32_0 : i32, i32
  }
  func.func @transform_3(%arg0: i32) -> (i32, i32) {
    %c0_i32 = arith.constant 0 : i32
    %c0_i32_0 = arith.constant 0 : i32
    %c0_i32_1 = arith.constant 0 : i32
    return %c0_i32, %c0_i32_0 : i32, i32
  }
  func.func @transform_4(%arg0: i32) -> (i32, i32) {
    %c0_i32 = arith.constant 0 : i32
    %c0_i32_0 = arith.constant 0 : i32
    %c0_i32_1 = arith.constant 0 : i32
    return %c0_i32, %c0_i32_0 : i32, i32
  }
  func.func @transform_5(%arg0: i32) -> (i32, i32) {
    %c0_i32 = arith.constant 0 : i32
    %c0_i32_0 = arith.constant 0 : i32
    %c0_i32_1 = arith.constant 0 : i32
    return %c0_i32, %c0_i32_0 : i32, i32
  }
  func.func @transform_6(%arg0: i32) -> (i32, i32) {
    %c0_i32 = arith.constant 0 : i32
    %c0_i32_0 = arith.constant 0 : i32
    %c0_i32_1 = arith.constant 0 : i32
    return %c0_i32, %c0_i32_0 : i32, i32
  }
  func.func @transform_7(%arg0: i32) -> (i32, i32) {
    %c0_i32 = arith.constant 0 : i32
    %c0_i32_0 = arith.constant 0 : i32
    return %arg0, %c0_i32 : i32, i32
  }
}

</mosaic_0001>

<sc_bundles>
// kernel: kernel.4.cloned.1.call-start
scs
__scs_entry_jumppad:
0x0: {  	(pc) =	sbr.rel $0x88, $3  }
0x1: {  	(tag) =	ssettag $0x0;
	lr =	simm.s32 $0x1  }
0x2: {  	[smem:$0x3F99] =	sst lr;
	_ =	strace $0xD0000000  }
0x3: {  	_ = 	snop  }
0x4: {  	_ = 	snop  }
0x5: {  	_ = 	snop  }
0x6: {  	_ = 	snop  }
0x7: {  	_ = 	snop  }
__scs_overlays_trampoline_lowered:
0x8: {  	[smem:$0x3FA8] =	sst s0  }
0x9: {  	[smem:$0x3FA9] =	sst s1  }
0xa: {  	[smem:$0x3FAA] =	sst s2  }
0xb: {  	[smem:$0x3FAB] =	sst s3  }
0xc: {  	[smem:$0x3FAC] =	sst s4  }
0xd: {  	[smem:$0x3FAD] =	sst s5  }
0xe: {  	[smem:$0x3FAE] =	sst s6  }
0xf: {  	[smem:$0x3FAF] =	sst s7  }
0x10: {  	[smem:$0x3FB0] =	sst s8  }
0x11: {  	[smem:$0x3FB1] =	sst s9;
	s0 =	simm.s32 @!p0 $0x0  }
0x12: {  	s1 =	sld [smem:$0x3F97];
	s0 =	simm.s32 @p0 $0x1  }
0x13: {  	[smem:$0x3FB2] =	sst s0;
	s0 =	simm.s32 @!p1 $0x0  }
0x14: {  	s2 =	sld [smem:$0x3F96];
	s0 =	simm.s32 @p1 $0x1  }
0x15: {  	[smem:$0x3FB3] =	sst s0;
	s0 =	simm.s32 @!p2 $0x0  }
0x16: {  	s3 =	sld [smem:$0x3FDB];
	s0 =	simm.s32 @p2 $0x1  }
0x17: {  	s4 =	simm.s32 $0x1BF5;
	[smem:$0x3FB5] =	sst s0  }
0x18: {  	s0 =	sld [smem:$0x3F98];
	_ =	swait.ge [sflag:s4], $0x0  }
0x19: {  	s7 =	sld [smem:$0x3F99]  }
0x1a: {  	s8 =	sadd.s32 $0xFFFFE003, lr  }
0x1b: {  	s9 =	sadd.s32 $0xFFFFFEF7, lr;
	s5 =	simm.s32 $0xFFFFFFFF;
	p2 =	slt.u32 s8, $0xFFFFF086  }
0x1c: {  	p1 =	slt.u32 s9, $0xF7A;
	s5 =	simm.s32 @!p2 $0x0  }
0x1d: {  	s5 =	simm.s32 @p1 $0x1;
	p0 =	seq.s32 s7, s2  }
0x1e: {  	s7 =	smul.u32 @!p0 $0xF7A, s2;
	p2 =	seq.s32 @!p0 s5, $0x0  }
0x1f: {  	s9 =	smul.u32 $0xF7A, s1;
	s8 =	simm.s32 @!p0 $0x1BF5;
	p2 =	por !p2, p0  }
0x20: {  	[sflag:s8] =	ssyncset.s32 @!p0 $0xFFFFF086;
	s6 =	sadd.s32 @!p0 s3, s7;
	s7 =	simm.s32 @!p0 $0x108  }
0x21: {  	s3 =	sadd.s32 s3, s9;
	s6 =	sadd.s32 @!p0 $0x88, s6;
	s7 =	simm.s32 @p2 $0x1082  }
0x22: {  	[simem:s7], [sflag:s8] =	dma.local @!p0 [hbm:s6], $0xF7A  }
0x23: {  	s9 =	sor.u32 $0xD0000000, s2;
	s6 =	simm.s32 $0x108;
	_ =	swait.ge @!p0 [sflag:s8], $0x0  }
0x24: {  	s3 =	sadd.s32 $0x88, s3;
	s6 =	simm.s32 @!p1 $0x1082;
	[sflag:s4] =	ssyncset.s32 $0xFFFFF086  }
0x25: {  	[simem:s6], [sflag:s4] =	dma.local [hbm:s3], $0xF7A  }
0x26: {  	[smem:$0x3F99] =	sst s1;
	(tag) =	ssettag s2;
	_ =	strace s9  }
0x27: {  	s1 =	sld [smem:$0x3FA9]  }
0x28: {  	s2 =	sld [smem:$0x3FAA]  }
0x29: {  	s4 =	sld [smem:$0x3FAC]  }
0x2a: {  	p0 =	seq.s32 s5, $0x0;
	s5 =	sld [smem:$0x3FAD]  }
0x2b: {  	s6 =	sld [smem:$0x3FAE]  }
0x2c: {  	s7 =	sld [smem:$0x3FAF]  }
0x2d: {  	s3 =	simm.s32 $0x108;
	s8 =	sld [smem:$0x3FB0]  }
0x2e: {  	s3 =	simm.s32 @!p0 $0x1082;
	s9 =	sld [smem:$0x3FB1]  }
0x2f: {  	lr =	sadd.s32 s0, s3;
	s0 =	sld [smem:$0x3FA8]  }
0x30: {  	s3 =	sld [smem:$0x3FAB]  }
0x31: {  	[smem:$0x3FB4] =	sst s10  }
0x32: {  	s10 =	sld [smem:$0x3FB2];
	_ =	sdelay $0x3  }
0x33: {  	p0 =	seq.s32 s10, $0x1;
	s10 =	sld [smem:$0x3FB4];
	_ =	sdelay $0x3  }
0x34: {  	[smem:$0x3FB4] =	sst s10  }
0x35: {  	s10 =	sld [smem:$0x3FB3];
	_ =	sdelay $0x3  }
0x36: {  	p1 =	seq.s32 s10, $0x1;
	s10 =	sld [smem:$0x3FB4];
	_ =	sdelay $0x3  }
0x37: {  	[smem:$0x3FB4] =	sst s10  }
0x38: {  	s10 =	sld [smem:$0x3FB5]  }
0x39: {  	_ = 	snop;
	(pc) =	sbr.ind lr, $3  }
0x3a: {  	_ = 	snop  }
0x3b: {  	_ = 	snop  }
0x3c: {  	p2 =	seq.s32 s10, $0x1;
	s10 =	sld [smem:$0x3FB4]  }
0x3d: {  	_ =	shalt  }
0x3e: {  	_ =	shalt  }
0x3f: {  	_ =	shalt  }
0x40: {  	_ =	shalt  }
0x41: {  	_ =	shalt  }
0x42: {  	_ =	shalt  }
0x43: {  	_ =	shalt  }
0x44: {  	_ =	shalt  }
0x45: {  	_ =	shalt  }
0x46: {  	_ =	shalt  }
0x47: {  	_ =	shalt  }
0x48: {  	_ =	shalt  }
0x49: {  	_ =	shalt  }
0x4a: {  	_ =	shalt  }
0x4b: {  	_ =	shalt  }
0x4c: {  	_ =	shalt  }
0x4d: {  	_ =	shalt  }
0x4e: {  	_ =	shalt  }
0x4f: {  	_ =	shalt  }
0x50: {  	_ =	shalt  }
0x51: {  	_ =	shalt  }
0x52: {  	_ =	shalt  }
0x53: {  	_ =	shalt  }
0x54: {  	_ =	shalt  }
0x55: {  	_ =	shalt  }
0x56: {  	_ =	shalt  }
0x57: {  	_ =	shalt  }
0x58: {  	_ =	shalt  }
0x59: {  	_ =	shalt  }
0x5a: {  	_ =	shalt  }
0x5b: {  	_ =	shalt  }
0x5c: {  	_ =	shalt  }
0x5d: {  	_ =	shalt  }
0x5e: {  	_ =	shalt  }
0x5f: {  	_ =	shalt  }
0x60: {  	_ =	shalt  }
0x61: {  	_ =	shalt  }
0x62: {  	_ =	shalt  }
0x63: {  	_ =	shalt  }
0x64: {  	_ =	shalt  }
0x65: {  	_ =	shalt  }
0x66: {  	_ =	shalt  }
0x67: {  	_ =	shalt  }
0x68: {  	_ =	shalt  }
0x69: {  	_ =	shalt  }
0x6a: {  	_ =	shalt  }
0x6b: {  	_ =	shalt  }
0x6c: {  	_ =	shalt  }
0x6d: {  	_ =	shalt  }
0x6e: {  	_ =	shalt  }
0x6f: {  	_ =	shalt  }
0x70: {  	_ =	shalt  }
0x71: {  	_ =	shalt  }
0x72: {  	_ =	shalt  }
0x73: {  	_ =	shalt  }
0x74: {  	_ =	shalt  }
0x75: {  	_ =	shalt  }
0x76: {  	_ =	shalt  }
0x77: {  	_ =	shalt  }
0x78: {  	_ =	shalt  }
0x79: {  	_ =	shalt  }
0x7a: {  	_ =	shalt  }
0x7b: {  	_ =	shalt  }
0x7c: {  	_ =	shalt  }
0x7d: {  	_ =	shalt  }
0x7e: {  	_ =	shalt  }
0x7f: {  	_ =	shalt  }
0x80: {  	_ =	shalt  }
0x81: {  	_ =	shalt  }
0x82: {  	_ =	shalt  }
0x83: {  	_ =	shalt  }
0x84: {  	_ =	shalt  }
0x85: {  	_ =	shalt  }
0x86: {  	_ =	shalt  }
0x87: {  	_ =	shalt  }
.Lfunc_end0:
.L_simem_size_0:
called_computation_lowered:
.L_overlay_start_0:
0x88: {  	s2 =	sld [smem:$0x3FD9]  }
0x89: {  	s3 =	sld [smem:$0x3FFE];
	_ =	sdelay $0x1  }
0x8a: {  	s1 =	srdreg.scid  }
0x8b: {  	s0 =	sand.u32 $0x1, s1  }
0x8c: {  	s17 =	sshll.u32 s0, $0xA;
	s2 =	sadd.s32 s3, s2  }
0x8d: {  	s2 =	sadd.s32 s2, s17  }
0x8e: {  	[smem:$0x3FC0] =	sst s2  }
0x8f: {  	_ = 	snop  }
0x90: {  	s2 =	sld [smem:$0x3FD0];
	(tm) =	ssettm $0x1  }
0x91: {  	s18 =	sld [smem:$0x3FFB];
	_ =	sdelay $0x3  }
0x92: {  	_ =	strace s18  }
0x93: {  	s3 =	sld [smem:$0x3FFC];
	_ =	sdelay $0x3  }
0x94: {  	_ =	strace s3  }
0x95: {  	s3 =	sld [smem:$0x3FFD];
	_ =	sdelay $0x3  }
0x96: {  	_ =	strace s3  }
0x97: {  	_ =	strace $0x8FFFFFFF  }
0x98: {  	s19 =	sld [smem:$0x3FDB];
	_ =	sdelay $0x1  }
0x99: {  	s4 =	simm.s32 $_scs_section_size  }
0x9a: {  	s5 =	simm.s32 $_size__tile_overlayer_lowered;
	s6 =	simm.s32 $_tile_overlayer_lowered  }
0x9b: {  	s22 =	simm.s32 $0x1BFF;
	s21 =	sshll.u32 s6, $0x1;
	s3 =	sadd.s32 s4, s19  }
0x9c: {  	s7 =	simm.s32 $0x0;
	s20 =	sshll.u32 s5, $0x1;
	s5 =	sadd.s32 s21, s3  }
0x9d: {  	[timem:s7], [sflag:s22] =	dma.local [hbm:s5], s20  }
0x9e: {  	_ =	swait.ge [sflag:s22], s20  }
0x9f: {  	s4 =	ssub.s32 $0x0, s20;
	[sflag:s22] =	ssyncset.done $0x0  }
0xa0: {  	[sflag:s22] =	ssyncadd.s32 s4;
	_ =	sdelay $0x1  }
0xa1: {  	s23 =	simm.s32 $0x1B8B  }
0xa2: {  	_ =	swait.ge [sflag:s23], $0x1  }
0xa3: {  	[sflag:s23] =	ssyncset.done $0x0  }
0xa4: {  	s25 =	simm.s32 $0x1B8E;
	s24 =	sld [smem:$0x3FFE];
	[sflag:s23] =	ssyncadd.s32 $0xFFFFFFFF  }
0xa5: {  	s26 =	simm.s32 $execute0_lowered;
	[smem:$0x3FD2] =	sst s25  }
0xa6: {  	s5 =	sshll.u32 s26, $0x1;
	_ =	strace $0x80000046;
	[dreg:$0x1] =	wrdreg $0xFFFFFFFF  }
0xa7: {  	s28 =	simm.s32 $_size_execute0_lowered;
	s3 =	sadd.s32 s3, s5;
	[dreg:$0x0] =	wrdreg $0x0  }
0xa8: {  	s5 =	sshll.u32 s28, $0x1;
	[dreg:$0x2] =	wrdreg s3  }
0xa9: {  	[dreg:$0x3] =	wrdreg s5  }
0xaa: {  	[dreg:$0x4] =	wrdreg $0xC0  }
0xab: {  	_ =	task [dreg:s7], $0x5FFFF  }
0xac: {  	[dreg:$0x1] =	wrdreg $0xFFFFFFFF  }
0xad: {  	[dreg:$0x0] =	wrdreg $0x60  }
0xae: {  	[dreg:$0x2] =	wrdreg s2  }
0xaf: {  	[dreg:$0x3] =	wrdreg s24  }
0xb0: {  	[dreg:$0x4] =	wrdreg $0x9  }
0xb1: {  	_ =	task.clear_ibuf [dreg:s7], $0x5FFFF;
	_ =	strace $0x90000046  }
0xb2: {  	s29 =	simm.s32 $0x9;
	_ =	strace $0x80000048  }
0xb3: {  	_ =	swait.ge [sflag:s29], $0x1  }
0xb4: {  	[sflag:s29] =	ssyncadd.s32 $0xFFFFFFFF  }
0xb5: {  	_ =	strace $0x90000048  }
0xb6: {  	_ =	sfence  }
0xb7: {  	s30 =	sld [smem:$0x0];
	_ =	sdelay $0x2  }
0xb8: {  	s31 =	sshll.u32 s1, $0xD;
	s1 =	sshrl.u32 s1, $0x2  }
0xb9: {  	s3 =	sand.u32 $0x4000, s31;
	s1 =	sadd.s32 s1, s30  }
0xba: {  	s0 =	sor.u32 s3, s0;
	s1 =	sshll.u32 s1, $0x11  }
0xbb: {  	s0 =	sor.u32 s1, s0  }
0xbc: {  	s0 =	sadd.s32 $0x8F2B, s0  }
0xbd: {  	[sflag:s0] =	ssyncadd.remote.s32 $0x1  }
0xbe: {  	_ =	sfence.sel $0xFFFF  }
0xbf: {  	[dreg:$0x0] =	wrdreg $0xFFFFFFFF;
	(pc) =	sbr.abs _section_cstart, $3  }
0xc0: {  	[dreg:$0x1] =	wrdreg $0xFFFFFFFF  }
0xc1: {  	_ =	task.clear_ibuf [dreg:s7], $0x2FFFF;
	_ =	strace $0x9FFFFFFF  }
0xc2: {  	(tm) =	ssettm $0x7FFFFFFF  }
0xc3: {  	_ =	shalt  }
tec
execute0_lowered:
.L_overlay_start_1:
0x0: {  	(tag) =	ssettag $0x1  }
0x1: {  	s4 =	rddreg [dreg:$0x0]  }
0x2: {  	s5 =	rddreg [dreg:$0x1]  }
0x3: {  	s0 =	rddreg [dreg:$0x2];
	s3 =	srdreg.scid  }
0x4: {  	s2 =	simm.s32 $0x0;
	s1 =	stileid.u32;
	s9 =	simm.s32 $0x2  }
0x5: {  	s10 =	simm.s32 $0x3;
	s11 =	simm.s32 $0x0;
	s3 =	sand.u32 $0x1, s3  }
0x6: {  	[smem:$0x7FF] =	sst s2;
	s6 =	sshll.u32 s1, $0xD;
	s7 =	sshll.u32 s3, $0xC  }
0x7: {  	v0 =	vlaneseq.u32;
	_ =	strace $0x80000047;
	s31 =	ssub.s32 $0x2, s3;
	s6 =	sor.u32 s7, s6  }
0x8: {  	v4 =	vmul.u32 $0xFFFFFFFF, v0;
	s3 =	sadd.s32 $0x600, s5;
	s8 =	sshrl.u32 s31, $0x1;
	s5 =	sadd.s32 s6, s5  }
0x9: {  	vm0 =	vmmov $0xff;
	v1 =	vor.u32 $0x10, v0;
	s7 =	ssub.s32 s31, s8;
	s4 =	sadd.s32 s4, s6;
	s8 =	simm.s32 $0x1  }
0xa: {  	v2 =	vor.u32 $0x20, v0;
	v3 =	vor.u32 $0x30, v0;
	v4 =	vadd.s32 $0xF, v4;
	s5 =	sadd.s32 $0x1600, s5;
	s6 =	smax.u32 s7, $0x1;
	s7 =	simm.s32 $0x8000  }
.LBB2_1:
0xb: {  	[tilespmem:s2], [sflag:$0x1] =	stream.linear.gather [hbm4b:s4+s2], $0x8000, $0x38;
	[tilespmem:$0x10000] =	vst v63  }
0xc: {  	_ = 	snop  }
0xd: {  	[tilespmem:s7], [sflag:$0x2] =	stream.linear.gather [hbm4b:s3+s2], $0x8000, $0x38;
	[tilespmem:$0x10000] =	vst v63  }
0xe: {  	_ =	swait.ge [sflag:s8], $0x8000  }
0xf: {  	[sflag:s8] =	ssyncset.done $0x0  }
0x10: {  	[sflag:s8] =	ssyncadd.s32 $0xFFFF8000  }
0x11: {  	_ =	swait.ge [sflag:s9], $0x8000  }
0x12: {  	[sflag:s9] =	ssyncset.done $0x0  }
0x13: {  	s12 =	simm.s32 $0x80;
	[sflag:s9] =	ssyncadd.s32 $0xFFFF8000  }
0x14: {  	v5 =	vld [tilespmem:s12+$0x50]  }
0x15: {  	v6 =	vld [tilespmem:s12+$0x40]  }
0x16: {  	v7 =	vld [tilespmem:s12+$0x70]  }
0x17: {  	v8 =	vld [tilespmem:s12+$0x30]  }
0x18: {  	v9 =	vld [tilespmem:s12+$0xFFFFFFB0]  }
0x19: {  	(xrf1) =	vsort.dscd.msk.f32 $0xffff, v5, v1;
	v5 =	vld [tilespmem:s12+$0xFFFFFFF0]  }
0x1a: {  	(xrf1) =	vsort.dscd.msk.f32 $0xffff, v6, v0;
	v6 =	vld [tilespmem:s12+$0xFFFFFFA0]  }
0x1b: {  	(xrf1) =	vsort.dscd.msk.f32 $0xffff, v7, v3;
	v7 =	vld [tilespmem:s12+$0x20]  }
0x1c: {  	v10 =	vld [tilespmem:s12+$0x60];
	(xrf1) =	vsort.dscd.msk.f32 $0xffff, v8, v3  }
0x1d: {  	v8 =	vld [tilespmem:s12+$0xFFFFFF90];
	(xrf1) =	vsort.dscd.msk.f32 $0xffff, v9, v3  }
0x1e: {  	v9 =	vld [tilespmem:s12+$0xFFFFFFE0];
	(xrf1) =	vsort.dscd.msk.f32 $0xffff, v5, v3  }
0x1f: {  	v5 =	vld [tilespmem:s12+$0xFFFFFF80];
	(xrf1) =	vsort.dscd.msk.f32 $0xffff, v6, v2  }
0x20: {  	s13 =	simm.s32 $0x180;
	(xrf1) =	vsort.dscd.msk.f32 $0xffff, v7, v2  }
0x21: {  	v6 =	vld [tilespmem:s13+$0x50];
	(xrf1) =	vsort.dscd.msk.f32 $0xffff, v10, v2  }
0x22: {  	v7 =	vld [tilespmem:s12+$0x10];
	(xrf1) =	vsort.dscd.msk.f32 $0xffff, v8, v1  }
0x23: {  	(xrf1) =	vsort.dscd.msk.f32 $0xffff, v9, v2  }
0x24: {  	v8 =	vld [tilespmem:s13+$0x40];
	(xrf1) =	vsort.dscd.msk.f32 $0xffff, v5, v0  }
0x25: {  	v9 =	vld [tilespmem:s12+$0x0]  }
0x26: {  	(xrf1) =	vsort.dscd.msk.f32 $0xffff, v6, v1  }
0x27: {  	(xrf1) =	vsort.dscd.msk.f32 $0xffff, v7, v1;
	v5, v6, _ =	vpop (xrf1)  }
0x28: {  	v7, v10, _ =	vpop (xrf1)  }
0x29: {  	(xrf1) =	vsort.dscd.msk.f32 $0xffff, v8, v0;
	v5 =	vperm.xlane v5, v4;
	v8, v11, _ =	vpop (xrf1)  }
0x2a: {  	(xrf1) =	vsort.dscd.msk.f32 $0xffff, v9, v0;
	v9, v12, _ =	vpop (xrf1)  }
0x2b: {  	vm1 =	vgt.f32 v7, v5;
	v13, v14, _ =	vpop (xrf1)  }
0x2c: {  	v6 =	vperm.xlane v6, v4;
	v5 =	vsel vm1, v7, v5;
	v15, v16, _ =	vpop (xrf1);
	v7 =	vperm.xlane v14, v4  }
0x2d: {  	v17 =	vld [tilespmem:s12+$0xFFFFFFC0];
	v18, v19, _ =	vpop (xrf1)  }
0x2e: {  	v20 =	vld [tilespmem:s12+$0xFFFFFFD0];
	v6 =	vsel vm1, v10, v6;
	v13 =	vperm.xlane v13, v4;
	v21, v22, _ =	vpop (xrf1)  }
0x2f: {  	v14, v23, _ =	vpop (xrf1)  }
0x30: {  	(xrf1) =	vsort.dscd.msk.f32 $0xffff, v5, v6;
	vm1 =	vgt.f32 v18, v13;
	v10, v24, _ =	vpop (xrf1)  }
0x31: {  	v5 =	vsel vm1, v19, v7;
	v13 =	vsel vm1, v18, v13;
	v6, v7, _ =	vpop (xrf1);
	v10 =	vperm.xlane v10, v4  }
0x32: {  	(xrf1) =	vsort.dscd.msk.f32 $0xffff, v17, v0;
	v17 =	vperm.xlane v24, v4;
	v18, v19, _ =	vpop (xrf1)  }
0x33: {  	v9 =	vperm.xlane v9, v4;
	(xrf1) =	vsort.dscd.msk.f32 $0xffff, v20, v1;
	vm1 =	vgt.f32 v18, v10  }
0x34: {  	(xrf1) =	vsort.dscd.msk.f32 $0xffff, v13, v5;
	v5 =	vperm.xlane v15, v4;
	v13, v15, _ =	vpop (xrf1);
	v17 =	vsel vm1, v19, v17  }
0x35: {  	v12 =	vperm.xlane v12, v4;
	v10 =	vsel vm1, v18, v10;
	v18, v19, _ =	vpop (xrf1)  }
0x36: {  	v16 =	vperm.xlane v16, v4;
	vm1 =	vgt.f32 v21, v9;
	(xrf1) =	vsort.dscd.msk.f32 $0xffff, v10, v17  }
0x37: {  	vm2 =	vgt.f32 v6, v5;
	v9 =	vsel vm1, v21, v9;
	v10 =	vperm.xlane v18, v4;
	v17, v18, _ =	vpop (xrf1)  }
0x38: {  	v12 =	vsel vm1, v22, v12;
	v5 =	vsel vm2, v6, v5;
	v6 =	vld [tilespmem:s13+$0x70];
	v19 =	vperm.xlane v19, v4;
	v20, v21, _ =	vpop (xrf1)  }
0x39: {  	v7 =	vsel vm2, v7, v16;
	v16 =	vld [tilespmem:s13+$0x30];
	(xrf1) =	vsort.dscd.msk.f32 $0xffff, v9, v12;
	vm1 =	vgt.f32 v20, v10  }
0x3a: {  	v9 =	vld [tilespmem:s13+$0xFFFFFFB0];
	(xrf1) =	vsort.dscd.msk.f32 $0xffff, v5, v7;
	v5 =	vsel vm1, v20, v10;
	v7 =	vsel vm1, v21, v19  }
0x3b: {  	v12 =	vld [tilespmem:s13+$0xFFFFFFF0];
	(xrf1) =	vsort.dscd.msk.f32 $0xffff, v5, v7  }
0x3c: {  	v5 =	vld [tilespmem:s13+$0xFFFFFFA0]  }
0x3d: {  	(xrf1) =	vsort.dscd.msk.f32 $0xffff, v6, v3;
	v6 =	vperm.xlane v8, v4  }
0x3e: {  	v11 =	vperm.xlane v11, v4;
	v7 =	vld [tilespmem:s13+$0x20];
	(xrf1) =	vsort.dscd.msk.f32 $0xffff, v16, v3  }
0x3f: {  	v10, v8, _ =	vpop (xrf1);
	v16 =	vld [tilespmem:s13+$0x60];
	(xrf1) =	vsort.dscd.msk.f32 $0xffff, v9, v3;
	vm1 =	vgt.f32 v14, v6  }
0x40: {  	v19, v20, _ =	vpop (xrf1);
	v9 =	vld [tilespmem:s13+$0xFFFFFF90];
	(xrf1) =	vsort.dscd.msk.f32 $0xffff, v12, v3;
	v11 =	vsel vm1, v23, v11  }
0x41: {  	v21 =	vld [tilespmem:s13+$0xFFFFFFE0];
	v6 =	vsel vm1, v14, v6;
	v12, v14, _ =	vpop (xrf1);
	(xrf1) =	vsort.dscd.msk.f32 $0xffff, v5, v2  }
0x42: {  	v5, v22, _ =	vpop (xrf1);
	(xrf1) =	vsort.dscd.msk.f32 $0xffff, v6, v11  }
0x43: {  	v5 =	vperm.xlane v5, v4;
	v6 =	vld [tilespmem:s13+$0xFFFFFF80];
	v22 =	vperm.xlane v22, v4;
	(xrf1) =	vsort.dscd.msk.f32 $0xffff, v7, v2  }
0x44: {  	v7, v11, _ =	vpop (xrf1);
	(xrf1) =	vsort.dscd.msk.f32 $0xffff, v16, v2  }
0x45: {  	s26 =	simm.s32 $0x280;
	v12 =	vperm.xlane v12, v4;
	vm1 =	vgt.f32 v7, v5;
	(xrf1) =	vsort.dscd.msk.f32 $0xffff, v9, v1  }
0x46: {  	v23 =	vld [tilespmem:s26+$0x50];
	v5 =	vsel vm1, v7, v5;
	v7 =	vsel vm1, v11, v22;
	(xrf1) =	vsort.dscd.msk.f32 $0xffff, v21, v2  }
0x47: {  	v16 =	vld [tilespmem:s13+$0x10];
	v9 =	vperm.xlane v14, v4;
	v11, v14, _ =	vpop (xrf1);
	(xrf1) =	vsort.dscd.msk.f32 $0xffff, v5, v7  }
0x48: {  	vm1 =	vgt.f32 v19, v12;
	v21, v22, _ =	vpop (xrf1);
	(xrf1) =	vsort.dscd.msk.f32 $0xffff, v6, v0;
	v6 =	vperm.xlane v11, v4  }
0x49: {  	v7 =	vsel vm1, v19, v12;
	v14 =	vperm.xlane v14, v4;
	v12, v19, _ =	vpop (xrf1)  }
0x4a: {  	v5 =	vld [tilespmem:s26+$0x40];
	v9 =	vsel vm1, v20, v9;
	vm1 =	vgt.f32 v12, v6  }
0x4b: {  	v11 =	vld [tilespmem:s13+$0x0];
	(xrf1) =	vsort.dscd.msk.f32 $0xffff, v23, v1;
	v6 =	vsel vm1, v12, v6;
	v12 =	vsel vm1, v19, v14  }
0x4c: {  	(xrf1) =	vsort.dscd.msk.f32 $0xffff, v16, v1  }
0x4d: {  	v16, v20, _ =	vpop (xrf1);
	(xrf1) =	vsort.dscd.msk.f32 $0xffff, v7, v9  }
0x4e: {  	v7, v9, _ =	vpop (xrf1);
	(xrf1) =	vsort.dscd.msk.f32 $0xffff, v6, v12  }
0x4f: {  	v6, v12, _ =	vpop (xrf1);
	(xrf1) =	vsort.dscd.msk.f32 $0xffff, v5, v0  }
0x50: {  	v5, v14, _ =	vpop (xrf1);
	(xrf1) =	vsort.dscd.msk.f32 $0xffff, v11, v0  }
0x51: {  	v11, v19, _ =	vpop (xrf1)  }
0x52: {  	v13 =	vperm.xlane v13, v4;
	v23, v24, _ =	vpop (xrf1)  }
0x53: {  	v15 =	vperm.xlane v15, v4;
	v25, v26, _ =	vpop (xrf1)  }
0x54: {  	vm1 =	vgt.f32 v17, v13;
	v29 =	vperm.xlane v6, v4;
	v12 =	vperm.xlane v12, v4;
	v27, v28, _ =	vpop (xrf1)  }
0x55: {  	v30 =	vld [tilespmem:s13+$0xFFFFFFC0];
	v13 =	vsel vm1, v17, v13;
	v15 =	vsel vm1, v18, v15;
	v31, v32, _ =	vpop (xrf1)  }
0x56: {  	v17 =	vld [tilespmem:s13+$0xFFFFFFD0];
	v7 =	vperm.xlane v7, v4;
	v9 =	vperm.xlane v9, v4;
	vm1 =	vgt.f32 v11, v29;
	v18, v33, _ =	vpop (xrf1)  }
0x57: {  	v35 =	vperm.xlane v5, v4;
	v5 =	vsel vm1, v19, v12;
	v11 =	vsel vm1, v11, v29;
	v34, v6, _ =	vpop (xrf1)  }
0x58: {  	vm1 =	vgt.f32 v25, v7;
	v12, v19, _ =	vpop (xrf1);
	(xrf1) =	vsort.dscd.msk.f32 $0xffff, v13, v15;
	v13 =	vperm.xlane v31, v4  }
0x59: {  	v9 =	vsel vm1, v26, v9;
	v26 =	vperm.xlane v32, v4;
	v15, v29, _ =	vpop (xrf1)  }
0x5a: {  	(xrf1) =	vsort.dscd.msk.f32 $0xffff, v30, v0;
	v30, v31, _ =	vpop (xrf1);
	vm2 =	vgt.f32 v12, v13  }
0x5b: {  	(xrf1) =	vsort.dscd.msk.f32 $0xffff, v17, v1;
	v17, v52, _ =	vpop (xrf1);
	v12 =	vsel vm2, v12, v13;
	v13 =	vsel vm2, v19, v26  }
0x5c: {  	v25 =	vsel vm1, v25, v7;
	(xrf1) =	vsort.dscd.msk.f32 $0xffff, v11, v5;
	v5, v7, _ =	vpop (xrf1)  }
0x5d: {  	v14 =	vperm.xlane v14, v4;
	vm1 =	vgt.f32 v18, v35;
	v11 =	vld [tilespmem:s26+$0x70];
	v19 =	vperm.xlane v30, v4;
	v26, v30, _ =	vpop (xrf1)  }
0x5e: {  	v18 =	vsel vm1, v18, v35;
	(xrf1) =	vsort.dscd.msk.f32 $0xffff, v12, v13;
	v12 =	vperm.xlane v31, v4;
	v13, v31, _ =	vpop (xrf1)  }
0x5f: {  	v14 =	vsel vm1, v33, v14;
	(xrf1) =	vsort.dscd.msk.f32 $0xffff, v25, v9;
	vm1 =	vgt.f32 v13, v19  }
0x60: {  	v53 =	vld [tilespmem:s26+$0x30];
	(xrf1) =	vsort.dscd.msk.f32 $0xffff, v18, v14;
	v13 =	vsel vm1, v13, v19;
	v12 =	vsel vm1, v31, v12  }
0x61: {  	v54 =	vld [tilespmem:s26+$0xFFFFFFB0];
	(xrf1) =	vsort.dscd.msk.f32 $0xffff, v13, v12  }
0x62: {  	v9 =	vld [tilespmem:s26+$0xFFFFFFF0];
	v14 =	vperm.xlane v23, v4;
	(xrf1) =	vsort.dscd.msk.f32 $0xffff, v11, v3;
	v11 =	vperm.xlane v16, v4  }
0x63: {  	v18 =	vperm.xlane v24, v4;
	v12 =	vld [tilespmem:s26+$0xFFFFFFA0];
	v13 =	vperm.xlane v20, v4  }
0x64: {  	(xrf0) =	vmax.scan.msk.f32 $0xffff, v34;
	vm2 =	vgt.f32 v27, v11  }
0x65: {  	vm1 =	vgt.f32 v10, v14;
	(xrf1) =	vsort.dscd.msk.f32 $0xffff, v53, v3;
	v19 =	vsel vm2, v28, v13  }
0x66: {  	v10 =	vsel vm1, v10, v14;
	v16 =	vld [tilespmem:s26+$0x20];
	(xrf1) =	vsort.dscd.msk.f32 $0xffff, v54, v3;
	v11 =	vsel vm2, v27, v11  }
0x67: {  	v20 =	vld [tilespmem:s26+$0x60];
	v8 =	vsel vm1, v8, v18;
	(xrf1) =	vsort.dscd.msk.f32 $0xffff, v9, v3;
	v13, v9, _ =	vpop (xrf1)  }
0x68: {  	(xrf1) =	vsort.dscd.msk.f32 $0xffff, v12, v2;
	v12 =	vld [tilespmem:s26+$0xFFFFFF90];
	v14, v18, _ =	vpop (xrf1)  }
0x69: {  	v23 =	vld [tilespmem:s26+$0xFFFFFFE0];
	(xrf1) =	vsort.dscd.msk.f32 $0xffff, v11, v19;
	v11, v19, _ =	vpop (xrf1)  }
0x6a: {  	(xrf1) =	vsort.dscd.msk.f32 $0xffff, v10, v8;
	v8, v10, _ =	vpop (xrf1)  }
0x6b: {  	(xrf1) =	vsort.dscd.msk.f32 $0xffff, v16, v2;
	v16 =	vld [tilespmem:s26+$0xFFFFFF80];
	v8 =	vperm.xlane v8, v4  }
0x6c: {  	v24, v25, _ =	vpop (xrf1);
	v10 =	vperm.xlane v10, v4;
	(xrf1) =	vsort.dscd.msk.f32 $0xffff, v20, v2;
	v20 =	vperm.xlane v21, v4  }
0x6d: {  	s28 =	simm.s32 $0x380;
	(xrf1) =	vsort.dscd.msk.f32 $0xffff, v12, v1;
	vm1 =	vgt.f32 v24, v8  }
0x6e: {  	v27 =	vld [tilespmem:s28+$0x50];
	v21, v28, _ =	vpop (xrf1);
	(xrf1) =	vsort.dscd.msk.f32 $0xffff, v23, v2;
	v12 =	vsel vm1, v24, v8;
	v24 =	vsel vm1, v25, v10  }
0x6f: {  	v22 =	vperm.xlane v22, v4;
	v11 =	vperm.xlane v11, v4;
	v23, _, _ =	vpop (xrf0);
	v25 =	vld [tilespmem:s26+$0x10];
	(xrf1) =	vsort.dscd.msk.f32 $0xffff, v12, v24  }
0x70: {  	v21 =	vperm.xlane v21, v4;
	vm1 =	vgt.f32 v17, v20;
	v10, v8, _ =	vpop (xrf1);
	(xrf1) =	vsort.dscd.msk.f32 $0xffff, v16, v0  }
0x71: {  	v12 =	vsel vm1, v17, v20;
	v16 =	vsel vm1, v52, v22;
	v22 =	vbroadcast v23, $0xF;
	v17, v20, _ =	vpop (xrf1)  }
0x72: {  	v19 =	vperm.xlane v19, v4;
	v28 =	vperm.xlane v28, v4;
	v23, v24, _ =	vpop (xrf1)  }
0x73: {  	vm1 =	vgt.f32 v14, v11;
	(xrf1) =	vsort.dscd.msk.f32 $0xffff, v27, v1;
	v22 =	vsub.f32 v34, v22;
	v27, v31, _ =	vpop (xrf1)  }
0x74: {  	v11 =	vsel vm1, v14, v11;
	v14 =	vld [tilespmem:s28+$0x40];
	v33, v56, _ =	vpop (xrf1);
	(xrf1) =	vsort.dscd.msk.f32 $0xffff, v25, v1  }
0x75: {  	v55 =	vld [tilespmem:s26+$0x0];
	v18 =	vsel vm1, v18, v19;
	vm1 =	vgt.f32 v17, v21;
	v25, v57, _ =	vpop (xrf1);
	(xrf1) =	vsort.dscd.msk.f32 $0xffff, v12, v16;
	v12 =	vmul.f32 $1.442695020e+00, v22  }
0x76: {  	(xrf0) =	vmax.scan.msk.f32 $0xffff, v5;
	v16 =	vsel vm1, v17, v21;
	v17 =	vsel vm1, v20, v28;
	v20, v21, _ =	vpop (xrf1)  }
0x77: {  	(xrf1) =	vsort.dscd.msk.f32 $0xffff, v11, v18;
	v22, v28, _ =	vpop (xrf1)  }
0x78: {  	v11 =	vperm.xlane v15, v4;
	(xrf1) =	vsort.dscd.msk.f32 $0xffff, v16, v17;
	v36, v19, _ =	vpop (xrf1)  }
0x79: {  	(erf) = vpow2.f32 v12;
	(xrf1) =	vsort.dscd.msk.f32 $0xffff, v14, v0;
	v12, v14, _ =	vpop (xrf1)  }
0x7a: {  	v16 =	vperm.xlane v33, v4;
	vm1 =	vgt.f32 v26, v11;
	(xrf1) =	vsort.dscd.msk.f32 $0xffff, v55, v0;
	v58, v59, _ =	vpop (xrf1)  }
0x7b: {  	v18 =	vperm.xlane v29, v4;
	v17 =	vld [tilespmem:s26+$0xFFFFFFC0];
	v26 =	vsel vm1, v26, v11;
	v37, v38, _ =	vpop (xrf1)  }
0x7c: {  	v29 =	vperm.xlane v56, v4;
	vm2 =	vgt.f32 v20, v16;
	v39, v40, _ =	vpop (xrf1)  }
0x7d: {  	v60 =	vld [tilespmem:s26+$0xFFFFFFD0];
	v18 =	vsel vm1, v30, v18;
	v16 =	vsel vm2, v20, v16;
	v20 =	vperm.xlane v37, v4;
	v30, v11, _ =	vpop (xrf1)  }
0x7e: {  	(xrf1) =	vsort.dscd.msk.f32 $0xffff, v26, v18;
	v26, v61, _ =	vpop (xrf1)  }
0x7f: {  	v27 =	vperm.xlane v27, v4;
	v15, _, _ =	vpop (xrf0);
	v29 =	vsel vm2, v21, v29;
	vm2 =	vgt.f32 v26, v20  }
0x80: {  	v31 =	vperm.xlane v31, v4;
	v15 =	vbroadcast v15, $0xF;
	(xrf1) =	vsort.dscd.msk.f32 $0xffff, v17, v0;
	v17 =	vsel vm2, v26, v20  }
0x81: {  	vm1 =	vgt.f32 v12, v27;
	v38 =	vperm.xlane v38, v4;
	v21, v18, _ =	vpop (xrf1)  }
0x82: {  	v15 =	vsub.f32 v5, v15;
	v12 =	vsel vm1, v12, v27;
	(xrf1) =	vsort.dscd.msk.f32 $0xffff, v60, v1;
	v41 =	vpop (erf)  }
0x83: {  	v14 =	vsel vm1, v14, v31;
	v20 =	vsel vm2, v61, v38;
	(xrf1) =	vsort.dscd.msk.f32 $0xffff, v16, v29;
	v16, v26, _ =	vpop (xrf1)  }
0x84: {  	(xrf1) =	vsort.dscd.msk.f32 $0xffff, v17, v20;
	v27, v17, _ =	vpop (xrf1)  }
0x85: {  	v15 =	vmul.f32 $1.442695020e+00, v15;
	v29, v31, _ =	vpop (xrf1)  }
0x86: {  	v25 =	vperm.xlane v25, v4;
	v62 =	vperm.xlane v57, v4;
	v5 =	vnsel vm0, $0x0, v41;
	(xrf1) =	vsort.dscd.msk.f32 $0xffff, v12, v14;
	v14, v12, _ =	vpop (xrf1)  }
0x87: {  	v63 =	vld [tilespmem:s28+$0x70];
	(erf) = vpow2.f32 v15;
	(xrf2) =	vadd.scan.msk.f32 $0xffff, v5;
	v16 =	vperm.xlane v16, v4;
	v37, v20, _ =	vpop (xrf1)  }
0x88: {  	v44 =	vld [tilespmem:s28+$0x30];
	vm1 =	vgt.f32 v39, v25;
	v26 =	vperm.xlane v26, v4;
	(xrf0) =	vmax.scan.msk.f32 $0xffff, v27;
	v45, v46, _ =	vpop (xrf1)  }
0x89: {  	v47 =	vld [tilespmem:s28+$0xFFFFFFB0];
	v25 =	vsel vm1, v39, v25;
	v34 =	vsel vm1, v40, v62;
	(xrf0) =	vmax.scan.msk.f32 $0xffff, v36;
	vm1 =	vgt.f32 v45, v16  }
0x8a: {  	(xrf1) =	vsort.dscd.msk.f32 $0xffff, v25, v34;
	v16 =	vsel vm1, v45, v16;
	v25 =	vsel vm1, v46, v26  }
0x8b: {  	v26 =	vld [tilespmem:s28+$0xFFFFFFF0];
	(xrf1) =	vsort.dscd.msk.f32 $0xffff, v16, v25  }
0x8c: {  	(xrf1) =	vsort.dscd.msk.f32 $0xffff, v63, v3  }
0x8d: {  	v48 =	vld [tilespmem:s28+$0xFFFFFFA0];
	v23 =	vperm.xlane v23, v4;
	(xrf1) =	vsort.dscd.msk.f32 $0xffff, v44, v3  }
0x8e: {  	v24 =	vperm.xlane v24, v4;
	v25, _, _ =	vpop (xrf0);
	(xrf1) =	vsort.dscd.msk.f32 $0xffff, v47, v3  }
0x8f: {  	v22 =	vperm.xlane v22, v4;
	vm1 =	vgt.f32 v58, v23;
	v15, _, _ =	vpop (xrf0);
	(xrf0) =	vmax.scan.msk.f32 $0xffff, v30  }
0x90: {  	v52 =	vld [tilespmem:s28+$0x20];
	v24 =	vsel vm1, v59, v24;
	v59 =	vpop (erf);
	v25 =	vbroadcast v25, $0xF;
	v49 =	vbroadcast v15, $0xF;
	(xrf1) =	vsort.dscd.msk.f32 $0xffff, v26, v3  }
0x91: {  	vm2 =	vgt.f32 v13, v22;
	v23 =	vsel vm1, v58, v23;
	v26 =	vperm.xlane v28, v4;
	v28 =	vld [tilespmem:s28+$0x60];
	v16, v15, _ =	vpop (xrf1)  }
0x92: {  	v55 =	vld [tilespmem:s28+$0xFFFFFF90];
	v25 =	vsub.f32 v27, v25;
	v51, v50, _ =	vpop (xrf1);
	v35 =	vsub.f32 v36, v49;
	(xrf1) =	vsort.dscd.msk.f32 $0xffff, v48, v2  }
0x93: {  	v13 =	vsel vm2, v13, v22;
	v22 =	vld [tilespmem:s28+$0xFFFFFFE0];
	v9 =	vsel vm2, v9, v26;
	v54, v53, _ =	vpop (xrf1);
	(xrf1) =	vsort.dscd.msk.f32 $0xffff, v23, v24  }
0x94: {  	v25 =	vmul.f32 $1.442695020e+00, v25;
	v27, v56, _ =	vpop (xrf1);
	v35 =	vmul.f32 $1.442695020e+00, v35;
	(xrf1) =	vsort.dscd.msk.f32 $0xffff, v13, v9  }
0x95: {  	v8 =	vperm.xlane v8, v4;
	v26, v57, _ =	vpop (xrf1);
	v9 =	vperm.xlane v27, v4;
	(xrf1) =	vsort.dscd.msk.f32 $0xffff, v52, v2  }
0x96: {  	s15 =	simm.s32 $0x480;
	v13 =	vld [tilespmem:s28+$0xFFFFFF80];
	v58 =	vperm.xlane v56, v4;
	v61, _, _ =	vpop (xrf0);
	(erf) = vpow2.f32 v35;
	(xrf1) =	vsort.dscd.msk.f32 $0xffff, v28, v2  }
0x97: {  	v60 =	vld [tilespmem:s15+$0x50];
	v18 =	vperm.xlane v18, v4;
	v23, v24, _ =	vpop (xrf1);
	vm1 =	vgt.f32 v26, v9;
	(xrf1) =	vsort.dscd.msk.f32 $0xffff, v55, v1  }
0x98: {  	(erf) = vpow2.f32 v25;
	v25, v28, _ =	vpop (xrf1);
	v9 =	vsel vm1, v26, v9;
	v26 =	vsel vm1, v57, v58;
	(xrf1) =	vsort.dscd.msk.f32 $0xffff, v22, v2  }
0x99: {  	v27, _, _ =	vpop (xrf2);
	v33 =	vbroadcast v61, $0xF;
	(xrf1) =	vsort.dscd.msk.f32 $0xffff, v9, v26;
	v9 =	vperm.xlane v10, v4;
	v10 =	vld [tilespmem:s28+$0x10]  }
0x9a: {  	v32 =	vperm.xlane v54, v4;
	v23 =	vperm.xlane v23, v4;
	v22, v62, _ =	vpop (xrf1)  }
0x9b: {  	v30 =	vsub.f32 v30, v33;
	(xrf1) =	vsort.dscd.msk.f32 $0xffff, v13, v0;
	v26, v35, _ =	vpop (xrf1);
	vm1 =	vgt.f32 v29, v9  }
0x9c: {  	v28 =	vperm.xlane v28, v4;
	(xrf1) =	vsort.dscd.msk.f32 $0xffff, v60, v1;
	v13, v42, _ =	vpop (xrf1);
	v9 =	vsel vm1, v29, v9  }
0x9d: {  	(xrf0) =	vmax.scan.msk.f32 $0xffff, v14;
	v8 =	vsel vm1, v31, v8;
	v31 =	vperm.xlane v53, v4;
	vm1 =	vgt.f32 v51, v32;
	v63, v43, _ =	vpop (xrf1)  }
0x9e: {  	v49 =	vld [tilespmem:s15+$0x40];
	v25 =	vperm.xlane v25, v4;
	v30 =	vmul.f32 $1.442695020e+00, v30;
	v32 =	vsel vm1, v51, v32;
	v33, v48, _ =	vpop (xrf1);
	(xrf1) =	vsort.dscd.msk.f32 $0xffff, v10, v1  }
0x9f: {  	v10 =	vsel vm1, v50, v31;
	v31 =	vld [tilespmem:s28+$0x0];
	v50 =	vperm.xlane v24, v4;
	v29 =	vpop (erf);
	(xrf1) =	vsort.dscd.msk.f32 $0xffff, v9, v8  }
0xa0: {  	(erf) = vpow2.f32 v30;
	vm1 =	vgt.f32 v22, v23;
	v45, v46, _ =	vpop (xrf1);
	v24 =	vnsel vm0, $0x0, v29;
	(xrf1) =	vsort.dscd.msk.f32 $0xffff, v32, v10  }
0xa1: {  	v9 =	vperm.xlane v21, v4;
	v22 =	vsel vm1, v22, v23;
	v44 =	vpop (erf);
	v51 =	vsel vm1, v62, v50;
	(xrf2) =	vadd.scan.msk.f32 $0xffff, v24  }
0xa2: {  	v35 =	vperm.xlane v35, v4;
	v26 =	vperm.xlane v26, v4;
	v21, v29, _ =	vpop (xrf1);
	(xrf1) =	vsort.dscd.msk.f32 $0xffff, v22, v51  }
0xa3: {  	v13 =	vperm.xlane v13, v4;
	vm1 =	vgt.f32 v37, v9;
	v23, v10, _ =	vpop (xrf1);
	(xrf1) =	vsort.dscd.msk.f32 $0xffff, v49, v0  }
0xa4: {  	s29 =	simm.s32 $0x80;
	v54 =	vperm.xlane v63, v4;
	v22 =	vsel vm1, v37, v9;
	v9 =	vnsel vm0, $0x0, v59;
	v30, v34, _ =	vpop (xrf1);
	(xrf1) =	vsort.dscd.msk.f32 $0xffff, v31, v0  }
0xa5: {  	v52 =	vld [tilespmem:s28+$0xFFFFFFC0];
	v8 =	vadd.s32 s2, v6;
	v6 =	vadd.s32 s29, v7;
	v18 =	vsel vm1, v20, v18;
	(xrf2) =	vadd.scan.msk.f32 $0xffff, v9;
	v37, v53, _ =	vpop (xrf1)  }
0xa6: {  	s12 =	simm.s32 $0x100;
	v61 =	vperm.xlane v48, v4;
	v33 =	vperm.xlane v33, v4;
	(xrf1) =	vsort.dscd.msk.f32 $0xffff, v22, v18;
	v22 =	vnsel vm0, $0x0, v44;
	v31, v55, _ =	vpop (xrf1)  }
0xa7: {  	v47 =	vld [tilespmem:s28+$0xFFFFFFD0];
	v7 =	vadd.s32 s12, v11;
	v20 =	vperm.xlane v43, v4;
	v21 =	vperm.xlane v21, v4;
	(xrf2) =	vadd.scan.msk.f32 $0xffff, v22;
	v56, v57, _ =	vpop (xrf1)  }
0xa8: {  	vm1 =	vgt.f32 v45, v54;
	v29 =	vperm.xlane v29, v4;
	v11 =	vperm.xlane v31, v4;
	v18, v31, _ =	vpop (xrf1)  }
0xa9: {  	v36 =	vsel vm1, v45, v54;
	v20 =	vsel vm1, v46, v20;
	vm2 =	vgt.f32 v16, v21;
	v59, v58, _ =	vpop (xrf1)  }
0xaa: {  	s30 =	simm.s32 $0x180;
	v60, _, _ =	vpop (xrf0);
	(xrf1) =	vsort.dscd.msk.f32 $0xffff, v52, v0;
	v39 =	vperm.xlane v55, v4;
	vm1 =	vgt.f32 v59, v11  }
0xab: {  	v50 =	vpop (erf);
	v62 =	vsel vm1, v59, v11;
	v11 =	vadd.s32 s30, v12;
	v12 =	vperm.xlane v42, v4  }
0xac: {  	v40 =	vsel vm2, v16, v21;
	(xrf1) =	vsort.dscd.msk.f32 $0xffff, v47, v1;
	v47 =	vsel vm2, v15, v29;
	v63, v48, _ =	vpop (xrf1)  }
0xad: {  	v15 =	vbroadcast v60, $0xF;
	v39 =	vsel vm1, v58, v39;
	vm1 =	vgt.f32 v30, v13;
	v51, _, _ =	vpop (xrf2)  }
0xae: {  	(xrf1) =	vsort.dscd.msk.f32 $0xffff, v36, v20;
	v42 =	vbroadcast v27, $0xF;
	v13 =	vsel vm1, v30, v13;
	v20, v30, _ =	vpop (xrf1);
	v27 =	vsel vm1, v34, v12  }
0xaf: {  	s16 =	simm.s32 $0xC0;
	vm2 =	vgt.f32 v56, v33;
	v14 =	vsub.f32 v14, v15;
	v52 =	vbroadcast v51, $0xF;
	(xrf1) =	vsort.dscd.msk.f32 $0xffff, v62, v39;
	v29, _, _ =	vpop (xrf2)  }
0xb0: {  	v19 =	vadd.s32 s16, v19;
	v32 =	vsel vm2, v57, v61;
	v54 =	vperm.xlane v63, v4;
	v34, v12, _ =	vpop (xrf1);
	(xrf1) =	vsort.dscd.msk.f32 $0xffff, v13, v27  }
0xb1: {  	v14 =	vmul.f32 $1.442695020e+00, v14;
	vm1 =	vgt.f32 v37, v26;
	(erf) = vrcp.f32 v52;
	v60, _, _ =	vpop (xrf2);
	(xrf0) =	vmax.scan.msk.f32 $0xffff, v34  }
0xb2: {  	v36 =	vsel vm1, v37, v26;
	v37 =	vsel vm1, v53, v35;
	v26 =	vsel vm2, v56, v33;
	v21, v27, _ =	vpop (xrf1)  }
0xb3: {  	s13 =	simm.s32 $0x200;
	v59 =	vperm.xlane v20, v4;
	(erf) = vpow2.f32 v14;
	v16, v53, _ =	vpop (xrf1);
	(xrf0) =	vmax.scan.msk.f32 $0xffff, v23;
	vm1 =	vgt.f32 v21, v25  }
0xb4: {  	v58 =	vld [tilespmem:s15+$0x70];
	v13 =	vadd.s32 s13, v31;
	v31, v35, _ =	vpop (xrf1);
	(xrf1) =	vsort.dscd.msk.f32 $0xffff, v26, v32;
	v26 =	vsel vm1, v21, v25;
	v25 =	vbroadcast v60, $0xF  }
0xb5: {  	v61 =	vld [tilespmem:s15+$0x30];
	v15 =	vnsel vm0, $0x0, v50;
	v55 =	vperm.xlane v48, v4;
	v30 =	vperm.xlane v30, v4;
	v57, v56, _ =	vpop (xrf1)  }
0xb6: {  	v62 =	vld [tilespmem:s15+$0xFFFFFFB0];
	v27 =	vsel vm1, v27, v28;
	v21, v20, _ =	vpop (xrf1);
	vm1 =	vgt.f32 v57, v59;
	(erf) = vrcp.f32 v25  }
0xb7: {  	s14 =	simm.s32 $0x280;
	(xrf2) =	vadd.scan.msk.f32 $0xffff, v15;
	v32 =	vsel vm1, v57, v59;
	v30 =	vsel vm1, v56, v30;
	vm1 =	vgt.f32 v31, v54;
	v28, _, _ =	vpop (xrf0)  }
0xb8: {  	v63 =	vld [tilespmem:s15+$0xFFFFFFF0];
	v52 =	vbroadcast v29, $0xF;
	v14 =	vadd.s32 s14, v53;
	(xrf1) =	vsort.dscd.msk.f32 $0xffff, v32, v30;
	v25 =	vsel vm1, v31, v54;
	v53, v54, _ =	vpop (xrf1)  }
0xb9: {  	v51, _, _ =	vpop (xrf0);
	v28 =	vbroadcast v28, $0xF;
	(xrf1) =	vsort.dscd.msk.f32 $0xffff, v58, v3  }
0xba: {  	v31 =	vld [tilespmem:s15+$0xFFFFFFA0];
	v29 =	vsel vm1, v35, v55;
	v30 =	vpop (erf);
	v55 =	vbroadcast v51, $0xF;
	(xrf1) =	vsort.dscd.msk.f32 $0xffff, v61, v3;
	(erf) = vrcp.f32 v52  }
0xbb: {  	v24 =	vmul.f32 v30, v24;
	v30, v56, _ =	vpop (xrf1);
	v57 =	vsub.f32 v34, v28;
	(xrf1) =	vsort.dscd.msk.f32 $0xffff, v62, v3  }
0xbc: {  	(erf) = vrcp.f32 v42;
	v38 =	vpop (erf);
	v30 =	vperm.xlane v30, v4;
	v23 =	vsub.f32 v23, v55  }
0xbd: {  	v59 =	vld [tilespmem:s15+$0x20];
	v28, v58, _ =	vpop (xrf1);
	(xrf1) =	vsort.dscd.msk.f32 $0xffff, v63, v3;
	[tilespmem:v19+s7+$0x0] =	vst.idx.msk $0xff, v24;
	v19 =	vperm.xlane v56, v4  }
0xbe: {  	(xrf0) =	vmax.scan.msk.f32 $0xffff, v18;
	v42 =	vmul.f32 $1.442695020e+00, v57;
	v60 =	vperm.xlane v28, v4;
	v62, v61, _ =	vpop (xrf1)  }
0xbf: {  	s31 =	simm.s32 $0x40;
	v24 =	vperm.xlane v58, v4;
	v23 =	vmul.f32 $1.442695020e+00, v23;
	vm1 =	vgt.f32 v53, v30;
	(xrf1) =	vsort.dscd.msk.f32 $0xffff, v31, v2;
	v28 =	vld [tilespmem:s15+$0x60];
	v35, v34, _ =	vpop (xrf1)  }
0xc0: {  	v32 =	vld [tilespmem:s15+$0xFFFFFF90];
	v30 =	vsel vm1, v53, v30;
	(xrf1) =	vsort.dscd.msk.f32 $0xffff, v36, v37;
	v33 =	vsel vm1, v54, v19;
	v19 =	vadd.s32 s31, v17;
	v63 =	vpop (erf)  }
0xc1: {  	v31, _, _ =	vpop (xrf2);
	v36 =	vld [tilespmem:s15+$0xFFFFFFE0];
	vm2 =	vgt.f32 v62, v60;
	(xrf1) =	vsort.dscd.msk.f32 $0xffff, v40, v47;
	(erf) = vpow2.f32 v23;
	v22 =	vmul.f32 v63, v22  }
0xc2: {  	s17 =	simm.s32 $0x580;
	s16 =	simm.s32 $0x10;
	s14 =	simm.s32 $0x200;
	v17 =	vbroadcast v31, $0xF;
	v37 =	vld [tilespmem:s15+$0xFFFFFF80];
	v39 =	vsel vm2, v62, v60;
	v41 =	vsel vm2, v61, v24;
	(xrf1) =	vsort.dscd.msk.f32 $0xffff, v59, v2;
	v31, v40, _ =	vpop (xrf1)  }
.LBB2_2:
0xc3: {  	v23 =	vld [tilespmem:s17+$0x50];
	s16 =	sadd.s32 $0x4, s16;
	s13 =	sadd.s32 $0x100, s13;
	(erf) = vpow2.f32 v42;
	v24 =	vpop (erf)  }
0xc4: {  	v38 =	vnsel vm0, $0x0, v38;
	p0 =	slt.u32 s16, $0x1FC;
	v42 =	vld [tilespmem:s15+$0x10];
	(xrf1) =	vsort.dscd.msk.f32 $0xffff, v28, v2;
	v28 =	vperm.xlane v40, v4;
	v40, _, _ =	vpop (xrf0)  }
0xc5: {  	(xrf1) =	vsort.dscd.msk.f32 $0xffff, v32, v1;
	v40 =	vbroadcast v40, $0xF;
	[tilespmem:v19+s7+$0x0] =	vst.idx.msk $0xff, v22;
	v19 =	vpop (erf)  }
0xc6: {  	v24 =	vmul.f32 v24, v9;
	v9 =	vmov v38;
	v43 =	vld [tilespmem:s15+$0x0];
	(xrf1) =	vsort.dscd.msk.f32 $0xffff, v36, v2;
	v22, v36, _ =	vpop (xrf1);
	v19 =	vmul.f32 v19, v5  }
0xc7: {  	v32 =	vperm.xlane v31, v4;
	v5 =	vmov v15;
	v38, v44, _ =	vpop (xrf1);
	(xrf1) =	vsort.dscd.msk.f32 $0xffff, v39, v41;
	v18 =	vsub.f32 v18, v40  }
0xc8: {  	v35 =	vperm.xlane v35, v4;
	v15 =	vld [tilespmem:s17+$0x40];
	(xrf1) =	vsort.dscd.msk.f32 $0xffff, v37, v0;
	v31, v37, _ =	vpop (xrf1);
	[tilespmem:v6+s7+$0x0] =	vst.idx.msk $0xff, v24;
	v6 =	vmov v11  }
0xc9: {  	v24 =	vperm.xlane v34, v4;
	(xrf1) =	vsort.dscd.msk.f32 $0xffff, v23, v1;
	v11, v23, _ =	vpop (xrf1);
	v18 =	vmul.f32 $1.442695020e+00, v18;
	[tilespmem:v8+s7+$0x0] =	vst.idx.msk $0xff, v19  }
0xca: {  	vm1 =	vgt.f32 v22, v35;
	v34 =	vperm.xlane v31, v4;
	v23 =	vperm.xlane v23, v4;
	v8 =	vpop (erf)  }
0xcb: {  	v39 =	vperm.xlane v44, v4;
	v35 =	vsel vm1, v22, v35;
	v11 =	vperm.xlane v11, v4;
	v31, v40, _ =	vpop (xrf1);
	(xrf0) =	vmax.scan.msk.f32 $0xffff, v16  }
0xcc: {  	v38 =	vperm.xlane v38, v4;
	v24 =	vsel vm1, v36, v24;
	v19 =	vnsel vm0, $0x0, v8;
	(xrf1) =	vsort.dscd.msk.f32 $0xffff, v42, v1;
	v8 =	vpop (erf)  }
0xcd: {  	v36 =	vperm.xlane v40, v4;
	v40, v41, _ =	vpop (xrf1);
	(xrf1) =	vsort.dscd.msk.f32 $0xffff, v26, v27;
	v22 =	vnsel vm0, $0x0, v8;
	v8 =	vmov v7  }
0xce: {  	v27 =	vperm.xlane v31, v4;
	v7 =	vmov v13;
	vm1 =	vgt.f32 v40, v11;
	v26 =	vld [tilespmem:s15+$0xFFFFFFD0];
	(xrf1) =	vsort.dscd.msk.f32 $0xffff, v30, v33;
	v30, v31, _ =	vpop (xrf1)  }
0xcf: {  	v33 =	vsel vm1, v41, v23;
	v13 =	vperm.xlane v30, v4;
	(erf) = vpow2.f32 v18;
	v30, v41, _ =	vpop (xrf1);
	(xrf2) =	vadd.scan.msk.f32 $0xffff, v19  }
0xd0: {  	v40 =	vsel vm1, v40, v11;
	v31 =	vperm.xlane v31, v4;
	v11 =	vmov v14;
	v42 =	vld [tilespmem:s15+$0xFFFFFFC0];
	v18, v44, _ =	vpop (xrf1);
	(xrf1) =	vsort.dscd.msk.f32 $0xffff, v35, v24;
	s15 =	smov.u32 s17  }
0xd1: {  	(xrf1) =	vsort.dscd.msk.f32 $0xffff, v15, v0;
	vm1 =	vgt.f32 v21, v13;
	v14, _, _ =	vpop (xrf0)  }
0xd2: {  	(xrf1) =	vsort.dscd.msk.f32 $0xffff, v43, v0;
	v15, v35, _ =	vpop (xrf1);
	v23 =	vsel vm1, v21, v13;
	v24 =	vsel vm1, v20, v31;
	v14 =	vbroadcast v14, $0xF  }
0xd3: {  	v46 =	vperm.xlane v37, v4;
	vm2 =	vgt.f32 v18, v34;
	vm1 =	vgt.f32 v15, v38;
	v20, v21, _ =	vpop (xrf1);
	(xrf2) =	vadd.scan.msk.f32 $0xffff, v9  }
0xd4: {  	v31 =	vsel vm1, v15, v38;
	v15, v37, _ =	vpop (xrf1);
	(xrf1) =	vsort.dscd.msk.f32 $0xffff, v25, v29;
	v20 =	vperm.xlane v20, v4  }
0xd5: {  	v25 =	vsel vm2, v18, v34;
	v29 =	vsel vm2, v44, v46;
	v18, v13, _ =	vpop (xrf1);
	vm2 =	vgt.f32 v15, v27  }
0xd6: {  	v45 =	vperm.xlane v21, v4;
	v38 =	vsel vm1, v35, v39;
	v34, v35, _ =	vpop (xrf1);
	v44 =	vsel vm2, v15, v27  }
0xd7: {  	v36 =	vsel vm2, v37, v36;
	v13 =	vadd.s32 s13, v13;
	v39, v43, _ =	vpop (xrf1);
	(xrf2) =	vadd.scan.msk.f32 $0xffff, v22;
	vm1 =	vgt.f32 v34, v20  }
0xd8: {  	v14 =	vsub.f32 v16, v14;
	(xrf1) =	vsort.dscd.msk.f32 $0xffff, v42, v0;
	v15 =	vpop (erf);
	v16 =	vsel vm1, v34, v20  }
0xd9: {  	v20 =	vsel vm1, v35, v45;
	v37 =	vld [tilespmem:s17+$0x70];
	(xrf1) =	vsort.dscd.msk.f32 $0xffff, v26, v1;
	v15 =	vnsel vm0, $0x0, v15;
	v21, _, _ =	vpop (xrf2)  }
0xda: {  	v35 =	vperm.xlane v39, v4;
	v34 =	vld [tilespmem:s17+$0x30];
	(xrf1) =	vsort.dscd.msk.f32 $0xffff, v40, v33;
	v26, v27, _ =	vpop (xrf1);
	v21 =	vbroadcast v21, $0xF  }
0xdb: {  	v39 =	vperm.xlane v43, v4;
	v40 =	vmul.f32 $1.442695020e+00, v14;
	v33 =	vld [tilespmem:s17+$0xFFFFFFF0];
	(xrf1) =	vsort.dscd.msk.f32 $0xffff, v16, v20;
	v42, v43, _ =	vpop (xrf1)  }
0xdc: {  	v46 =	vperm.xlane v26, v4;
	v45 =	vld [tilespmem:s17+$0xFFFFFFB0];
	(xrf1) =	vsort.dscd.msk.f32 $0xffff, v25, v29;
	v14, v16, _ =	vpop (xrf1);
	(erf) = vrcp.f32 v21  }
0xdd: {  	v47 =	vperm.xlane v27, v4;
	vm1 =	vgt.f32 v14, v32;
	(xrf0) =	vmax.scan.msk.f32 $0xffff, v42;
	v48, _, _ =	vpop (xrf2)  }
0xde: {  	s18 =	sadd.s32 $0x80, s13;
	v26 =	vsel vm1, v14, v32;
	v27 =	vsel vm1, v16, v28;
	v16, v14, _ =	vpop (xrf1);
	(xrf0) =	vmax.scan.msk.f32 $0xffff, v30  }
0xdf: {  	v20, v21, _ =	vpop (xrf1);
	v14 =	vadd.s32 s18, v14  }
0xe0: {  	s18 =	sadd.s32 $0xC0, s12;
	vm1 =	vgt.f32 v20, v35;
	(xrf1) =	vsort.dscd.msk.f32 $0xffff, v44, v36;
	v28, v36, _ =	vpop (xrf1)  }
0xe1: {  	v25 =	vsel vm1, v20, v35;
	v29 =	vsel vm1, v21, v39;
	(xrf2) =	vadd.scan.msk.f32 $0xffff, v15;
	v35 =	vadd.s32 s18, v10;
	v10, _, _ =	vpop (xrf2)  }
0xe2: {  	v44 =	vbroadcast v48, $0xF;
	vm1 =	vgt.f32 v28, v46;
	v39 =	vld [tilespmem:s17+$0xFFFFFFA0];
	v21, v20, _ =	vpop (xrf1);
	v49 =	vbroadcast v10, $0xF  }
0xe3: {  	v48 =	vsel vm1, v28, v46;
	v36 =	vsel vm1, v36, v47;
	v32 =	vld [tilespmem:s17+$0xFFFFFF90];
	v46, _, _ =	vpop (xrf0);
	(erf) = vpow2.f32 v40  }
0xe4: {  	v10 =	vmov v41;
	(xrf1) =	vsort.dscd.msk.f32 $0xffff, v48, v36;
	v36 =	vbroadcast v46, $0xF;
	v28, _, _ =	vpop (xrf0);
	(erf) = vrcp.f32 v49  }
0xe5: {  	(xrf1) =	vsort.dscd.msk.f32 $0xffff, v37, v3;
	v37 =	vbroadcast v28, $0xF;
	_ =	sdelay $0x1  }
0xe6: {  	v40 =	vpop (erf)  }
0xe7: {  	v28 =	vld [tilespmem:s17+$0x60];
	(xrf1) =	vsort.dscd.msk.f32 $0xffff, v34, v3;
	v41, v46, _ =	vpop (xrf1);
	v42 =	vsub.f32 v42, v36;
	v48 =	vmul.f32 v40, v19;
	(erf) = vrcp.f32 v44  }
0xe8: {  	(xrf1) =	vsort.dscd.msk.f32 $0xffff, v45, v3;
	v34, v40, _ =	vpop (xrf1);
	v30 =	vsub.f32 v30, v37  }
0xe9: {  	v44 =	vld [tilespmem:s17+$0x20];
	v45 =	vperm.xlane v34, v4;
	[tilespmem:v35+s7+$0x0] =	vst.idx.msk $0xff, v48;
	(erf) = vrcp.f32 v17;
	v34, v37, _ =	vpop (xrf1)  }
0xea: {  	v48 =	vmul.f32 $1.442695020e+00, v30;
	v36 =	vld [tilespmem:s17+$0xFFFFFFE0];
	(xrf1) =	vsort.dscd.msk.f32 $0xffff, v33, v3;
	v17 =	vperm.xlane v34, v4;
	v19, v47, _ =	vpop (xrf1)  }
.Ltmp0:
0xeb: {  	vm1 =	vgt.f32 v41, v45;
	v49 =	vperm.xlane v37, v4;
	v33 =	vperm.xlane v40, v4;
	v35, v34, _ =	vpop (xrf1);
	(xrf0) =	vmax.scan.msk.f32 $0xffff, v18;
	(pc) =	sbr.rel @p0 .LBB2_2-.Ltmp0, $4  }
0xec: {  	s18 =	sadd.s32 $0x40, s12;
	s12 =	smov.u32 s14;
	s14 =	smov.u32 s13;
	v42 =	vmul.f32 $1.442695020e+00, v42;
	v30 =	vsel vm1, v41, v45;
	v37 =	vld [tilespmem:s17+$0xFFFFFF80];
	(xrf1) =	vsort.dscd.msk.f32 $0xffff, v39, v2;
	vm2 =	vgt.f32 v19, v17;
	v40, _, _ =	vpop (xrf2)  }
0xed: {  	v33 =	vsel vm1, v46, v33;
	v39 =	vsel vm2, v19, v17;
	(xrf1) =	vsort.dscd.msk.f32 $0xffff, v31, v38;
	v38 =	vpop (erf);
	v19 =	vadd.s32 s18, v12  }
0xee: {  	v41 =	vsel vm2, v47, v49;
	v17 =	vbroadcast v40, $0xF;
	(xrf1) =	vsort.dscd.msk.f32 $0xffff, v23, v24;
	(erf) = vpow2.f32 v48;
	v12 =	vpop (erf)  }
0xef: {  	s17 =	sadd.s32 $0x100, s17;
	(xrf1) =	vsort.dscd.msk.f32 $0xffff, v44, v2;
	v31, v40, _ =	vpop (xrf1);
	v22 =	vmul.f32 v12, v22;
	v12 =	vmov v43  }
0xf0: {  	(erf) = vpow2.f32 v42;
	v23 =	vpop (erf);
	(xrf1) =	vsort.dscd.msk.f32 $0xffff, v28, v2  }
0xf1: {  	v55, _, _ =	vpop (xrf0);
	(xrf1) =	vsort.dscd.msk.f32 $0xffff, v32, v1  }
0xf2: {  	v59 =	vld [tilespmem:s15+$0x10];
	v60, v61, _ =	vpop (xrf1);
	(xrf1) =	vsort.dscd.msk.f32 $0xffff, v36, v2  }
0xf3: {  	v24 =	vpop (erf);
	(xrf1) =	vsort.dscd.msk.f32 $0xffff, v39, v41  }
0xf4: {  	v39, v41, _ =	vpop (xrf1);
	(xrf1) =	vsort.dscd.msk.f32 $0xffff, v37, v0  }
0xf5: {  	v35 =	vperm.xlane v35, v4;
	v37, v43, _ =	vpop (xrf1)  }
0xf6: {  	(xrf0) =	vmax.scan.msk.f32 $0xffff, v16;
	v62 =	vperm.xlane v34, v4;
	v44, v45, _ =	vpop (xrf1)  }
0xf7: {  	vm1 =	vgt.f32 v60, v35;
	(xrf1) =	vsort.dscd.msk.f32 $0xffff, v59, v1;
	v47 =	vpop (erf)  }
0xf8: {  	v46 =	vld [tilespmem:s15+$0x0];
	v28 =	vsel vm1, v61, v62;
	v34, v48, _ =	vpop (xrf1);
	(xrf1) =	vsort.dscd.msk.f32 $0xffff, v26, v27  }
0xf9: {  	v27 =	vnsel vm0, $0x0, v47;
	v63 =	vpop (erf);
	(xrf1) =	vsort.dscd.msk.f32 $0xffff, v30, v33  }
0xfa: {  	v56 =	vsel vm1, v60, v35;
	(xrf2) =	vadd.scan.msk.f32 $0xffff, v27;
	v30, v57, _ =	vpop (xrf1)  }
0xfb: {  	v26 =	vnsel vm0, $0x0, v38;
	(xrf1) =	vsort.dscd.msk.f32 $0xffff, v56, v28;
	v33, v35, _ =	vpop (xrf1)  }
0xfc: {  	v58 =	vld [tilespmem:s15+$0xFFFFFFC0];
	(xrf2) =	vadd.scan.msk.f32 $0xffff, v26;
	v36, v28, _ =	vpop (xrf1)  }
0xfd: {  	v59 =	vld [tilespmem:s15+$0xFFFFFFD0];
	(xrf1) =	vsort.dscd.msk.f32 $0xffff, v46, v0;
	v49, v50, _ =	vpop (xrf1)  }
0xfe: {  	v42 =	vbroadcast v55, $0xF;
	v44 =	vperm.xlane v44, v4;
	(xrf1) =	vsort.dscd.msk.f32 $0xffff, v25, v29;
	v25 =	vnsel vm0, $0x0, v63;
	v51, v52, _ =	vpop (xrf1)  }
0xff: {  	v60 =	vperm.xlane v45, v4;
	(xrf2) =	vadd.scan.msk.f32 $0xffff, v25;
	v61, v62, _ =	vpop (xrf1)  }
0x100: {  	v40 =	vperm.xlane v40, v4;
	v42 =	vsub.f32 v18, v42;
	vm1 =	vgt.f32 v30, v44;
	v53, v54, _ =	vpop (xrf1)  }
0x101: {  	v29 =	vsel vm1, v57, v60;
	v63 =	vperm.xlane v61, v4;
	v45, v18, _ =	vpop (xrf1);
	(xrf1) =	vsort.dscd.msk.f32 $0xffff, v58, v0  }
0x102: {  	v30 =	vsel vm1, v30, v44;
	v55 =	vperm.xlane v62, v4;
	v56, v57, _ =	vpop (xrf1);
	(xrf1) =	vsort.dscd.msk.f32 $0xffff, v59, v1  }
0x103: {  	v39 =	vperm.xlane v39, v4;
	v42 =	vmul.f32 $1.442695020e+00, v42;
	v58, _, _ =	vpop (xrf0);
	vm1 =	vgt.f32 v56, v63;
	(xrf1) =	vsort.dscd.msk.f32 $0xffff, v30, v29  }
0x104: {  	v43 =	vperm.xlane v43, v4;
	v61, _, _ =	vpop (xrf2);
	v59 =	vsel vm1, v56, v63;
	v60 =	vsel vm1, v57, v55  }
0x105: {  	v38 =	vperm.xlane v41, v4;
	v29 =	vperm.xlane v37, v4;
	v62, v44, _ =	vpop (xrf1);
	(xrf1) =	vsort.dscd.msk.f32 $0xffff, v59, v60  }
0x106: {  	(erf) = vpow2.f32 v42;
	v34 =	vperm.xlane v34, v4;
	v47, v30, _ =	vpop (xrf1)  }
0x107: {  	v33 =	vperm.xlane v33, v4;
	v46 =	vbroadcast v58, $0xF;
	v56, _, _ =	vpop (xrf2);
	(xrf0) =	vmax.scan.msk.f32 $0xffff, v47  }
0x108: {  	v35 =	vperm.xlane v35, v4;
	v63 =	vperm.xlane v48, v4;
	vm1 =	vgt.f32 v49, v29;
	v48, v55, _ =	vpop (xrf1);
	(xrf0) =	vmax.scan.msk.f32 $0xffff, v36  }
0x109: {  	vm2 =	vgt.f32 v21, v33;
	v60 =	vbroadcast v61, $0xF;
	v43 =	vsel vm1, v50, v43;
	v61, _, _ =	vpop (xrf2)  }
0x10a: {  	v21 =	vsel vm2, v21, v33;
	v57 =	vsub.f32 v16, v46;
	v49 =	vsel vm1, v49, v29;
	v50, v29, _ =	vpop (xrf1)  }
0x10b: {  	v20 =	vsel vm2, v20, v35;
	v41 =	vperm.xlane v62, v4;
	vm1 =	vgt.f32 v53, v34;
	v59, v58, _ =	vpop (xrf1)  }
0x10c: {  	v16 =	vmul.f32 $1.442695020e+00, v57;
	v57 =	vbroadcast v56, $0xF;
	(xrf1) =	vsort.dscd.msk.f32 $0xffff, v49, v43;
	v34 =	vsel vm1, v53, v34;
	v43, v46, _ =	vpop (xrf1)  }
0x10d: {  	v32 =	vsel vm1, v54, v63;
	vm1 =	vgt.f32 v51, v39;
	(erf) = vrcp.f32 v60;
	v62, _, _ =	vpop (xrf0)  }
0x10e: {  	v63 =	vperm.xlane v44, v4;
	(xrf1) =	vsort.dscd.msk.f32 $0xffff, v34, v32;
	v34 =	vsel vm1, v51, v39;
	v37 =	vbroadcast v61, $0xF;
	v54, _, _ =	vpop (xrf0)  }
0x10f: {  	(erf) = vpow2.f32 v16;
	vm2 =	vgt.f32 v59, v41;
	v39 =	vbroadcast v54, $0xF;
	v49, v51, _ =	vpop (xrf1)  }
0x110: {  	v31 =	vperm.xlane v31, v4;
	(erf) = vrcp.f32 v37;
	v33 =	vsel vm2, v59, v41;
	v41, v42, _ =	vpop (xrf1)  }
0x111: {  	v35 =	vsel vm2, v58, v63;
	(erf) = vrcp.f32 v57;
	v59 =	vsub.f32 v36, v39;
	v61, v60, _ =	vpop (xrf1)  }
0x112: {  	v38 =	vsel vm1, v52, v38;
	v58 =	vbroadcast v62, $0xF;
	(xrf1) =	vsort.dscd.msk.f32 $0xffff, v33, v35;
	v62 =	vperm.xlane v61, v4  }
0x113: {  	vm1 =	vgt.f32 v48, v31;
	(xrf0) =	vmax.scan.msk.f32 $0xffff, v45;
	v37 =	vperm.xlane v60, v4;
	v63, v44, _ =	vpop (xrf1);
	v32 =	vmul.f32 $1.442695020e+00, v59  }
0x114: {  	(erf) = vrcp.f32 v17;
	v16 =	vsub.f32 v47, v58;
	(xrf1) =	vsort.dscd.msk.f32 $0xffff, v34, v38;
	vm2 =	vgt.f32 v63, v62  }
0x115: {  	(xrf1) =	vsort.dscd.msk.f32 $0xffff, v21, v20;
	v47 =	vsel vm2, v63, v62;
	v52 =	vsel vm2, v44, v37;
	(erf) = vpow2.f32 v32  }
0x116: {  	v53 =	vpop (erf);
	v55 =	vsel vm1, v55, v40;
	v54 =	vsel vm1, v48, v31;
	v16 =	vmul.f32 $1.442695020e+00, v16;
	(xrf1) =	vsort.dscd.msk.f32 $0xffff, v47, v52  }
0x117: {  	v35 =	vpop (erf);
	(xrf1) =	vsort.dscd.msk.f32 $0xffff, v54, v55  }
0x118: {  	v56 =	vpop (erf);
	(erf) = vpow2.f32 v16  }
0x119: {  	v36 =	vpop (erf)  }
0x11a: {  	v34 =	vpop (erf)  }
0x11b: {  	v58, _, _ =	vpop (xrf0)  }
0x11c: {  	v38, v39, _ =	vpop (xrf1)  }
0x11d: {  	v37 =	vpop (erf)  }
0x11e: {  	(xrf0) =	vmax.scan.msk.f32 $0xffff, v50;
	v59 =	vperm.xlane v41, v4;
	v16 =	vnsel vm0, $0x0, v53;
	v57 =	vpop (erf)  }
0x11f: {  	v61 =	vperm.xlane v42, v4;
	v40, v44, _ =	vpop (xrf1);
	(xrf2) =	vadd.scan.msk.f32 $0xffff, v16;
	v21 =	vnsel vm0, $0x0, v57  }
0x120: {  	v20 =	vnsel vm0, $0x0, v56;
	vm1 =	vgt.f32 v49, v59;
	v48, v52, _ =	vpop (xrf1);
	(xrf2) =	vadd.scan.msk.f32 $0xffff, v21  }
0x121: {  	v33 =	vsel vm1, v51, v61;
	v60 =	vpop (erf);
	(xrf2) =	vadd.scan.msk.f32 $0xffff, v20  }
0x122: {  	v49 =	vsel vm1, v49, v59;
	v62, v63, _ =	vpop (xrf1)  }
0x123: {  	v31 =	vnsel vm0, $0x0, v60;
	v53, v32, _ =	vpop (xrf1)  }
0x124: {  	(xrf2) =	vadd.scan.msk.f32 $0xffff, v31;
	v51, v17, _ =	vpop (xrf1)  }
0x125: {  	v47 =	vbroadcast v58, $0xF;
	(xrf1) =	vsort.dscd.msk.f32 $0xffff, v49, v33;
	v49, v33, _ =	vpop (xrf1)  }
0x126: {  	(xrf0) =	vmax.scan.msk.f32 $0xffff, v49  }
0x127: {  	v45 =	vsub.f32 v45, v47;
	v60, _, _ =	vpop (xrf0);
	(xrf0) =	vmax.scan.msk.f32 $0xffff, v53  }
0x128: {  	v47 =	vbroadcast v60, $0xF  }
0x129: {  	v38 =	vperm.xlane v38, v4;
	v45 =	vmul.f32 $1.442695020e+00, v45;
	v59, _, _ =	vpop (xrf2)  }
0x12a: {  	v39 =	vperm.xlane v39, v4;
	v44 =	vperm.xlane v44, v4;
	v61, _, _ =	vpop (xrf2)  }
0x12b: {  	v40 =	vperm.xlane v40, v4;
	(erf) = vpow2.f32 v45;
	v56, _, _ =	vpop (xrf2)  }
0x12c: {  	v54 =	vbroadcast v59, $0xF;
	v41 =	vperm.xlane v62, v4;
	v62 =	vsub.f32 v50, v47;
	v47, _, _ =	vpop (xrf0)  }
0x12d: {  	v42 =	vperm.xlane v63, v4;
	v63 =	vbroadcast v61, $0xF;
	v60, _, _ =	vpop (xrf0)  }
0x12e: {  	vm1 =	vgt.f32 v48, v38;
	v45 =	vmul.f32 $1.442695020e+00, v62;
	v57, _, _ =	vpop (xrf2);
	v55 =	vbroadcast v60, $0xF  }
0x12f: {  	v38 =	vsel vm1, v48, v38;
	(erf) = vrcp.f32 v63;
	v61 =	vbroadcast v57, $0xF  }
0x130: {  	v62 =	vbroadcast v56, $0xF;
	(erf) = vpow2.f32 v45;
	v63 =	vsub.f32 v53, v55  }
0x131: {  	v39 =	vsel vm1, v52, v39;
	v47 =	vbroadcast v47, $0xF;
	(erf) = vrcp.f32 v61  }
0x132: {  	(xrf1) =	vsort.dscd.msk.f32 $0xffff, v38, v39;
	vm1 =	vgt.f32 v43, v41;
	(erf) = vrcp.f32 v62;
	v48 =	vmul.f32 $1.442695020e+00, v63  }
0x133: {  	v50 =	vsel vm1, v43, v41;
	v52 =	vsel vm1, v46, v42;
	(erf) = vrcp.f32 v54;
	v55, v53, _ =	vpop (xrf1)  }
0x134: {  	(xrf1) =	vsort.dscd.msk.f32 $0xffff, v50, v52;
	v56 =	vsub.f32 v49, v47;
	vm1 =	vgt.f32 v55, v40;
	(erf) = vpow2.f32 v48  }
0x135: {  	v57 =	vsel vm1, v55, v40;
	v58 =	vsel vm1, v53, v44  }
0x136: {  	v59 =	vmul.f32 $1.442695020e+00, v56;
	(xrf1) =	vsort.dscd.msk.f32 $0xffff, v57, v58  }
0x137: {  	v60 =	vpop (erf)  }
0x138: {  	v40 =	vpop (erf);
	(erf) = vpow2.f32 v59  }
0x139: {  	v61 =	vpop (erf)  }
0x13a: {  	v41 =	vpop (erf)  }
0x13b: {  	v42 =	vpop (erf)  }
0x13c: {  	(xrf0) =	vmax.scan.msk.f32 $0xffff, v51;
	v38 =	vnsel vm0, $0x0, v60;
	v43 =	vpop (erf)  }
0x13d: {  	(xrf2) =	vadd.scan.msk.f32 $0xffff, v38;
	v62 =	vpop (erf)  }
0x13e: {  	v44 =	vnsel vm0, $0x0, v62  }
0x13f: {  	v39 =	vnsel vm0, $0x0, v61;
	(xrf2) =	vadd.scan.msk.f32 $0xffff, v44  }
0x140: {  	v63, v46, _ =	vpop (xrf1);
	(xrf2) =	vadd.scan.msk.f32 $0xffff, v39  }
0x141: {  	v56 =	vpop (erf)  }
0x142: {  	(xrf0) =	vmax.scan.msk.f32 $0xffff, v63;
	v48, v49, _ =	vpop (xrf1);
	v47 =	vnsel vm0, $0x0, v56  }
0x143: {  	v57, _, _ =	vpop (xrf0);
	(xrf2) =	vadd.scan.msk.f32 $0xffff, v47  }
0x144: {  	v50, v52, _ =	vpop (xrf1)  }
0x145: {  	v53 =	vbroadcast v57, $0xF;
	(xrf0) =	vmax.scan.msk.f32 $0xffff, v50  }
0x146: {  	(xrf0) =	vmax.scan.msk.f32 $0xffff, v48  }
0x147: {  	v55, _, _ =	vpop (xrf2);
	v51 =	vsub.f32 v51, v53  }
0x148: {  	v58, _, _ =	vpop (xrf0)  }
0x149: {  	v59 =	vbroadcast v58, $0xF;
	v51 =	vmul.f32 $1.442695020e+00, v51;
	v60, _, _ =	vpop (xrf2)  }
0x14a: {  	v61, _, _ =	vpop (xrf2)  }
0x14b: {  	v45 =	vsub.f32 v63, v59;
	(erf) = vpow2.f32 v51;
	v62, _, _ =	vpop (xrf0)  }
0x14c: {  	v59 =	vbroadcast v55, $0xF;
	v54 =	vbroadcast v60, $0xF;
	v63, _, _ =	vpop (xrf0)  }
0x14d: {  	v45 =	vmul.f32 $1.442695020e+00, v45;
	v57, _, _ =	vpop (xrf2);
	v51 =	vbroadcast v63, $0xF  }
0x14e: {  	(erf) = vrcp.f32 v54;
	v54 =	vbroadcast v57, $0xF  }
0x14f: {  	v53 =	vbroadcast v61, $0xF;
	(erf) = vpow2.f32 v45;
	v48 =	vsub.f32 v48, v51  }
0x150: {  	v58 =	vbroadcast v62, $0xF;
	(erf) = vrcp.f32 v54  }
0x151: {  	(erf) = vrcp.f32 v53;
	v48 =	vmul.f32 $1.442695020e+00, v48  }
0x152: {  	v45 =	vsub.f32 v50, v58;
	(erf) = vrcp.f32 v59  }
0x153: {  	(erf) = vpow2.f32 v48  }
0x154: {  	v45 =	vmul.f32 $1.442695020e+00, v45;
	_ =	sdelay $0x1  }
0x155: {  	v60 =	vpop (erf);
	(erf) = vpow2.f32 v45  }
0x156: {  	v48 =	vpop (erf)  }
0x157: {  	v61 =	vpop (erf)  }
0x158: {  	v51 =	vpop (erf)  }
0x159: {  	v53 =	vpop (erf)  }
0x15a: {  	v54 =	vpop (erf)  }
0x15b: {  	v45 =	vnsel vm0, $0x0, v60;
	v62 =	vpop (erf)  }
0x15c: {  	(xrf2) =	vadd.scan.msk.f32 $0xffff, v45;
	v55 =	vnsel vm0, $0x0, v62  }
0x15d: {  	(xrf2) =	vadd.scan.msk.f32 $0xffff, v55  }
0x15e: {  	v50 =	vnsel vm0, $0x0, v61;
	v63 =	vpop (erf)  }
0x15f: {  	v56 =	vnsel vm0, $0x0, v63;
	(xrf2) =	vadd.scan.msk.f32 $0xffff, v50  }
0x160: {  	(xrf2) =	vadd.scan.msk.f32 $0xffff, v56;
	_ =	sdelay $0x4  }
0x161: {  	v5 =	vmul.f32 v24, v5  }
0x162: {  	s22 =	sadd.s32 $0xC0, s14;
	v9 =	vmul.f32 v23, v9;
	v57, _, _ =	vpop (xrf2)  }
0x163: {  	[tilespmem:v8+s7+$0x0] =	vst.idx.msk $0xff, v5;
	v5 =	vmul.f32 v34, v26;
	v34 =	vadd.s32 s22, v28;
	v60, _, _ =	vpop (xrf2)  }
0x164: {  	[tilespmem:v6+s7+$0x0] =	vst.idx.msk $0xff, v9;
	v62 =	vmul.f32 v36, v25;
	v25 =	vbroadcast v60, $0xF  }
0x165: {  	s24 =	sadd.s32 $0x100, s13;
	v6 =	vmul.f32 v37, v15;
	[tilespmem:v11+s7+$0x0] =	vst.idx.msk $0xff, v5;
	v5 =	vmul.f32 v40, v21;
	v63, _, _ =	vpop (xrf2)  }
0x166: {  	s13 =	sadd.s32 $0xC0, s24;
	v61 =	vmul.f32 v35, v27;
	v27, _, _ =	vpop (xrf2);
	(erf) = vrcp.f32 v25  }
0x167: {  	s23 =	sadd.s32 $0x40, s14;
	[tilespmem:v7+s7+$0x0] =	vst.idx.msk $0xff, v6;
	v7 =	vadd.s32 s13, v32;
	v15 =	vbroadcast v27, $0xF  }
0x168: {  	s20 =	sadd.s32 $0xC0, s12;
	[tilespmem:v34+s7+$0x0] =	vst.idx.msk $0xff, v5;
	v5 =	vmul.f32 v42, v20;
	v35 =	vadd.s32 s23, v30;
	v36 =	vbroadcast v63, $0xF  }
0x169: {  	v10 =	vadd.s32 s20, v10;
	v37 =	vbroadcast v57, $0xF;
	(erf) = vrcp.f32 v15  }
0x16a: {  	s26 =	sadd.s32 $0x80, s24;
	[tilespmem:v14+s7+$0x0] =	vst.idx.msk $0xff, v5;
	v5 =	vmul.f32 v48, v44;
	(erf) = vrcp.f32 v36  }
0x16b: {  	[tilespmem:v19+s7+$0x0] =	vst.idx.msk $0xff, v22;
	s25 =	sadd.s32 $0x40, s24;
	v6 =	vmul.f32 v41, v31;
	v42 =	vadd.s32 s26, v29;
	(erf) = vrcp.f32 v37  }
0x16c: {  	s21 =	sadd.s32 $0x40, s12;
	v41 =	vadd.s32 s25, v33;
	[tilespmem:v7+s7+$0x0] =	vst.idx.msk $0xff, v5  }
0x16d: {  	v12 =	vadd.s32 s21, v12;
	s28 =	sadd.s32 $0x100, s24;
	[tilespmem:v35+s7+$0x0] =	vst.idx.msk $0xff, v6;
	v6 =	vmul.f32 v43, v16  }
0x16e: {  	s29 =	sadd.s32 $0xC0, s28;
	[tilespmem:v10+s7+$0x0] =	vst.idx.msk $0xff, v61;
	v5 =	vmul.f32 v53, v39;
	v57 =	vadd.s32 s24, v18  }
0x16f: {  	s30 =	sadd.s32 $0x40, s28;
	v58 =	vadd.s32 s29, v49;
	[tilespmem:v13+s7+$0x0] =	vst.idx.msk $0xff, v6;
	v6 =	vmul.f32 v51, v47;
	v60 =	vpop (erf)  }
0x170: {  	s31 =	sadd.s32 $0x80, s28;
	v7 =	vadd.s32 s30, v52;
	[tilespmem:v42+s7+$0x0] =	vst.idx.msk $0xff, v5;
	v5 =	vmul.f32 v60, v55  }
0x171: {  	v59 =	vadd.s32 s31, v46;
	[tilespmem:v41+s7+$0x0] =	vst.idx.msk $0xff, v6;
	v6 =	vmul.f32 v54, v38  }
0x172: {  	v61 =	vadd.s32 s28, v17;
	[tilespmem:v12+s7+$0x0] =	vst.idx.msk $0xff, v62;
	v62 =	vpop (erf)  }
0x173: {  	[tilespmem:v57+s7+$0x0] =	vst.idx.msk $0xff, v6;
	v6 =	vmul.f32 v62, v56;
	v63 =	vpop (erf)  }
0x174: {  	[tilespmem:v58+s7+$0x0] =	vst.idx.msk $0xff, v5;
	v8 =	vmul.f32 v63, v50;
	v5 =	vpop (erf)  }
0x175: {  	s11 =	sadd.s32 $0x1, s11;
	[tilespmem:v7+s7+$0x0] =	vst.idx.msk $0xff, v6;
	v5 =	vmul.f32 v5, v45  }
0x176: {  	p0 =	sne.s32 s11, s6;
	[tilespmem:v59+s7+$0x0] =	vst.idx.msk $0xff, v8  }
.Ltmp1:
0x177: {  	[tilespmem:v61+s7+$0x0] =	vst.idx.msk $0xff, v5;
	(pc) =	sbr.rel @p0 .LBB2_1-.Ltmp1, $4  }
0x178: {  	[hbm4b:s5+s2] =	stream.linear.scatter [tilespmem:s7], [sflag:$0x3], $0x8000, $0x38;
	[tilespmem:$0x10000] =	vst v63  }
0x179: {  	_ =	swait.ge [sflag:s10], $0x8000  }
0x17a: {  	[sflag:s10] =	ssyncset.done $0x0  }
0x17b: {  	[sflag:s10] =	ssyncadd.s32 $0xFFFF8000  }
0x17c: {  	_ =	sfence.sel $0x180000  }
0x17d: {  	[bflag:$0x0] =	sbarrier.arrive $0xFFFF  }
0x17e: {  	p0 =	sne.s32 s1, $0x0;
	_ =	strace $0x90000047  }
0x17f: {  	s0 =	sadd.s32 @!p0 $0x100000, s0;
	[bflag:$0x2] =	sbarrier.arrive $0xFFFF  }
0x180: {  	[sflag:s0] =	ssyncadd.tile.s32 @!p0 $0x1;
	_ =	shalt  }
.Lfunc_end2:
_tile_overlayer_lowered:
.L_overlay_start_2:
0x181: {  	(tag) =	ssettag $0x2  }
0x182: {  	s0 =	rddreg [dreg:$0x0];
	s2 =	stileid.u32  }
0x183: {  	s1 =	rddreg [dreg:$0x1];
	p0 =	sne.s32 s2, $0x0  }
0x184: {  	s3 =	rddreg [dreg:$0x2];
	[bflag:$0x3] =	sbarrier.arrive $0xFFFF;
	s2 =	simm.s32 @!p0 $0x1C03  }
0x185: {  	[timem:s3], [sflag:s2] =	dma.local @!p0 [hbm:s0], s1  }
0x186: {  	s0 =	simm.s32 @!p0 $0x3  }
0x187: {  	_ =	swait.ge @!p0 [sflag:s0], s1  }
0x188: {  	s1 =	ssub.s32 @!p0 $0x0, s1;
	[sflag:s0] =	ssyncset.done @!p0 $0x0  }
0x189: {  	[sflag:s0] =	ssyncadd.s32 @!p0 s1  }
0x18a: {  	[bflag:$0x3] =	sbarrier.arrive $0xFFFF  }
0x18b: {  	_ =	shalt  }

</sc_bundles>
